<compile_context>
chip_gen: v7x
topology: tpu7x:2x2x1
jax: 0.10.2.dev20260603
libtpu: 0.0.44.dev20260713+nightly
codegen_flags: <defaults>
</compile_context>

<pallas_src>
import functools

import jax
import jax.numpy as jnp
from jax import lax
from jax.experimental import pallas as pl
from jax.experimental.pallas import tpu as pltpu
from jax.experimental.pallas import tpu_sc as plsc

NW = 32
NS = 16
LANES = 16
CH = 128


def _sc_degrees(src_hbm, dst_hbm, degp_hbm, idxv, hist):
    np_, = hist.shape
    c = lax.axis_index("c")
    s = lax.axis_index("s")
    w = c * NS + s
    epw, = idxv.shape
    zero16 = jnp.zeros((LANES,), jnp.float32)
    one16 = jnp.full((LANES,), 1.0, jnp.float32)
    for direction, eb in enumerate((src_hbm, dst_hbm)):
        @pl.loop(0, np_ // LANES)
        def _(i):
            hist[pl.ds(i * LANES, LANES)] = zero16

        pltpu.sync_copy(eb.at[w], idxv)

        @pl.loop(0, epw // LANES)
        def _(j):
            ids = idxv[pl.ds(j * LANES, LANES)]
            plsc.addupdate_scatter(hist, [ids], one16)

        pltpu.sync_copy(hist, degp_hbm.at[direction, w])


def _sc_agg(h_hbm, src_hbm, dst_hbm, aggp_hbm, idxs, idxd, rows2, shared, sem):
    np_, d = shared.shape
    seg = np_ // NS
    c = lax.axis_index("c")
    s = lax.axis_index("s")
    w = c * NS + s
    ch = idxs.shape[1]
    zero16 = jnp.zeros((LANES,), jnp.float32)

    @pl.loop(0, ch)
    def _(j):
        for k in range(d // LANES):
            rows2[0, j, pl.ds(k * LANES, LANES)] = zero16

    for k in range(seg // ch):
        pltpu.sync_copy(rows2.at[0], shared.at[pl.ds(s * seg + k * ch, ch)])
    plsc.subcore_barrier()

    nch = src_hbm.shape[1]
    bch = idxs.shape[0]

    @pl.loop(0, nch // bch)
    def _(b):
        pltpu.sync_copy(src_hbm.at[w, pl.ds(b * bch, bch)], idxs)
        pltpu.sync_copy(dst_hbm.at[w, pl.ds(b * bch, bch)], idxd)
        pltpu.async_copy(h_hbm.at[idxs.at[0]], rows2.at[0], sem.at[0])

        @pl.loop(0, bch)
        def _(j):
            p = lax.rem(j, 2)
            q = 1 - p

            @pl.when(j + 1 < bch)
            def _():
                pltpu.async_copy(h_hbm.at[idxs.at[j + 1]], rows2.at[q],
                                 sem.at[q])

            pltpu.make_async_copy(h_hbm.at[idxs.at[j]], rows2.at[p],
                                  sem.at[p]).wait()
            pltpu.sync_copy(rows2.at[p], shared.at[idxd.at[j]], add=True)

    plsc.subcore_barrier()
    pltpu.sync_copy(shared.at[pl.ds(s * seg, seg)],
                    aggp_hbm.at[c, pl.ds(s * seg, seg)])


def _tc_norm_body(n, np_, x_ref, degp_ref, h_ref, nd_ref):
    do = jnp.sum(degp_ref[0], axis=0)
    di = jnp.sum(degp_ref[1], axis=0)
    ns_ = lax.rsqrt(jnp.maximum(do, 1.0))
    nd_ref[...] = lax.rsqrt(jnp.maximum(di, 1.0)).reshape(1, np_)
    h_ref[pl.ds(0, n), :] = x_ref[...] * ns_[:n][:, None]


def _tc_main_body(n, s_seq, l_seq, d,
                  aggp_ref, nd_ref, seq_ref, wc_ref, bc_ref, w1_ref, b1_ref,
                  wih_ref, whh_ref, bi_ref, bh_ref, w2_ref, b2_ref,
                  final_ref, outv, xv, xgv, btv):
    agg = aggp_ref[0, pl.ds(0, n), :] + aggp_ref[1, pl.ds(0, n), :]
    agg = agg * nd_ref[0, :n][:, None]
    med = jnp.dot(agg, wc_ref[...], preferred_element_type=jnp.float32) + bc_ref[...]
    outv[...] = jnp.dot(med, w1_ref[...], preferred_element_type=jnp.float32) + b1_ref[...]
    btv[...] = whh_ref[...].T
    bt = btv[...]
    bsum = bi_ref[...] + bh_ref[...]
    dn_t = (((1,), (1,)), ((), ()))

    def seq_body(si, _):
        def gather_body(tb, _):
            tb4 = pl.multiple_of(tb * 4, 4)
            for u in range(4):
                t = tb4 + u
                idx = seq_ref[si, t]
                xv[pl.ds(t, 1), :] = outv[pl.ds(idx, 1), :]
            return 0
        lax.fori_loop(0, l_seq // 4, gather_body, 0)
        xgv[...] = lax.dot_general(
            xv[...], wih_ref[...], dn_t,
            preferred_element_type=jnp.float32) + bsum

        def step_block(tb, hc):
            h, cc = hc
            tb8 = pl.multiple_of(tb * 8, 8)
            for u in range(8):
                t = tb8 + u
                hc = h.reshape(d, 1)
                g = xgv[pl.ds(t, 1), :] + jnp.sum(
                    hc * bt, axis=0, keepdims=True)
                ig = 0.5 + 0.5 * jnp.tanh(0.5 * g[:, 0:d])
                fg = 0.5 + 0.5 * jnp.tanh(0.5 * g[:, d:2 * d])
                gg = jnp.tanh(g[:, 2 * d:3 * d])
                og = 0.5 + 0.5 * jnp.tanh(0.5 * g[:, 3 * d:4 * d])
                cc = fg * cc + ig * gg
                h = og * jnp.tanh(cc)
                oidx = seq_ref[si, t]
                outv[pl.ds(oidx, 1), :] = h
            return (h, cc)

        zero_h = jnp.zeros((1, d), jnp.float32)
        lax.fori_loop(0, l_seq // 8, step_block, (zero_h, zero_h))
        return 0

    lax.fori_loop(0, s_seq, seq_body, 0)
    final_ref[...] = jnp.dot(outv[...], w2_ref[...],
                             preferred_element_type=jnp.float32) + b2_ref[...]


def kernel(in_feats, edge_index, seq_ids, W_conv, b_conv, W_ff1, b_ff1,
           W_ih, W_hh, b_ih, b_hh, W_ff2, b_ff2):
    n, d = in_feats.shape
    e = edge_index.shape[1]
    s_seq, l_seq = seq_ids.shape
    np_ = ((n + NS * LANES - 1) // (NS * LANES)) * (NS * LANES)
    epw = e // NW

    src2 = edge_index[0].reshape(NW, epw)
    dst2 = edge_index[1].reshape(NW, epw)
    epw_p = ((epw + 8 * CH - 1) // (8 * CH)) * (8 * CH)
    npad = epw_p - epw
    nchp = epw_p // CH
    padb = jnp.broadcast_to(
        n + (jnp.arange(npad, dtype=jnp.int32) % (np_ - n)), (NW, npad))
    src3 = jnp.concatenate([src2, padb], axis=1).reshape(NW, nchp, CH)
    dst3 = jnp.concatenate([dst2, padb], axis=1).reshape(NW, nchp, CH)

    mesh = plsc.VectorSubcoreMesh(core_axis_name="c", subcore_axis_name="s")

    degp = pl.kernel(
        _sc_degrees,
        out_type=jax.ShapeDtypeStruct((2, NW, np_), jnp.float32),
        mesh=mesh,
        compiler_params=pltpu.CompilerParams(needs_layout_passes=False),
        scratch_types=[
            pltpu.VMEM((epw,), jnp.int32),
            pltpu.VMEM((np_,), jnp.float32),
        ],
    )(src2, dst2)

    h, norm_dst = pl.pallas_call(
        functools.partial(_tc_norm_body, n, np_),
        out_shape=(
            jax.ShapeDtypeStruct((np_, d), jnp.float32),
            jax.ShapeDtypeStruct((1, np_), jnp.float32),
        ),
    )(in_feats, degp)

    aggp = pl.kernel(
        _sc_agg,
        out_type=jax.ShapeDtypeStruct((2, np_, d), jnp.float32),
        mesh=mesh,
        scratch_types=[
            pltpu.VMEM((16, CH), jnp.int32),
            pltpu.VMEM((16, CH), jnp.int32),
            pltpu.VMEM((2, CH, d), jnp.float32),
            pltpu.VMEM_SHARED((np_, d), jnp.float32),
            pltpu.SemaphoreType.DMA((2,)),
        ],
    )(h, src3, dst3)

    final = pl.pallas_call(
        functools.partial(_tc_main_body, n, s_seq, l_seq, d),
        out_shape=jax.ShapeDtypeStruct((n, d), jnp.float32),
        in_specs=[
            pl.BlockSpec(memory_space=pltpu.VMEM),
            pl.BlockSpec(memory_space=pltpu.VMEM),
            pl.BlockSpec(memory_space=pltpu.SMEM),
        ] + [pl.BlockSpec(memory_space=pltpu.VMEM)] * 10,
        out_specs=pl.BlockSpec(memory_space=pltpu.VMEM),
        scratch_shapes=[
            pltpu.VMEM((n, d), jnp.float32),
            pltpu.VMEM((l_seq, d), jnp.float32),
            pltpu.VMEM((l_seq, 4 * d), jnp.float32),
            pltpu.VMEM((d, 4 * d), jnp.float32),
        ],
    )(aggp, norm_dst, seq_ids,
      W_conv, b_conv.reshape(1, d), W_ff1, b_ff1.reshape(1, d),
      W_ih, W_hh, b_ih.reshape(1, 4 * d), b_hh.reshape(1, 4 * d),
      W_ff2, b_ff2.reshape(1, d))
    return final

# --- scband reference (transcript-rebuilt; emitter-appended) ---
"""Pipeline reference for scband-block-2302102471059 (READ-ONLY COPY).

The authoritative reference and input builder live on the scoring server;
editing this copy changes nothing except your own understanding.
"""

import jax, jax.numpy as jnp
import numpy as np

N = 10000
D = 128
E = 320000
S = 16
L = 256


def setup_inputs(seed: int = 0):
    key = jax.random.key(seed)
    ks = jax.random.split(key, 16)
    sc = 1.0 / np.sqrt(D)
    return {
        "in_feats": jax.random.normal(ks[0], (N, D), jnp.float32),
        "edge_index": jax.random.randint(ks[1], (2, E), 0, N, dtype=jnp.int32),
        "seq_ids": jax.random.randint(ks[2], (S, L), 0, N, dtype=jnp.int32),
        "W_conv": jax.random.normal(ks[3], (D, D), jnp.float32) * sc,
        "b_conv": jnp.zeros((D,), jnp.float32),
        "W_ff1": jax.random.normal(ks[4], (D, D), jnp.float32) * sc,
        "b_ff1": jnp.zeros((D,), jnp.float32),
        "W_ih": jax.random.normal(ks[5], (4 * D, D), jnp.float32) * sc,
        "W_hh": jax.random.normal(ks[6], (4 * D, D), jnp.float32) * sc,
        "b_ih": jnp.zeros((4 * D,), jnp.float32),
        "b_hh": jnp.zeros((4 * D,), jnp.float32),
        "W_ff2": jax.random.normal(ks[7], (D, D), jnp.float32) * sc,
        "b_ff2": jnp.zeros((D,), jnp.float32),
    }


def _graph_conv(x, edge_index, W, b):
    # DGL GraphConv with norm='both': D_out^{-1/2} A D_in^{-1/2} X W + b
    src = edge_index[0]
    dst = edge_index[1]
    n = x.shape[0]
    deg_out = jnp.zeros((n,), x.dtype).at[src].add(1.0)
    deg_in = jnp.zeros((n,), x.dtype).at[dst].add(1.0)
    norm_src = jax.lax.rsqrt(jnp.clip(deg_out, 1.0, None))
    norm_dst = jax.lax.rsqrt(jnp.clip(deg_in, 1.0, None))
    h = x * norm_src[:, None]
    agg = jnp.zeros_like(x).at[dst].add(h[src])
    agg = agg * norm_dst[:, None]
    return agg @ W + b


def _lstm(x, W_ih, W_hh, b_ih, b_hh):
    # single-layer LSTM, batch size 1 (torch batch_first=False with unsqueeze(1))
    d = W_hh.shape[1]

    def step(carry, xt):
        h, c = carry
        gates = xt @ W_ih.T + b_ih + h @ W_hh.T + b_hh
        i, f, g, o = jnp.split(gates, 4)
        i = jax.nn.sigmoid(i)
        f = jax.nn.sigmoid(f)
        g = jnp.tanh(g)
        o = jax.nn.sigmoid(o)
        c = f * c + i * g
        h = o * jnp.tanh(c)
        return (h, c), h

    init = (jnp.zeros((d,), x.dtype), jnp.zeros((d,), x.dtype))
    _, ys = jax.lax.scan(step, init, x)
    return ys


def reference(in_feats, edge_index, seq_ids, W_conv, b_conv, W_ff1, b_ff1,
              W_ih, W_hh, b_ih, b_hh, W_ff2, b_ff2):
    med = _graph_conv(in_feats, edge_index, W_conv, b_conv)
    med = med.reshape(in_feats.shape[0], -1)
    med = med @ W_ff1 + b_ff1
    output = med
    for s in range(seq_ids.shape[0]):
        ids = seq_ids[s]
        temp = _lstm(output[ids], W_ih, W_hh, b_ih, b_hh)
        # torch: output[ids] += temp - output[ids]  ==  scatter-overwrite
        output = output.at[ids].set(temp)
    output = output @ W_ff2 + b_ff2
    return output

if __name__ == "__main__":
    import jax
    _d = setup_inputs()
    print(jax.jit(kernel)(*tuple(_d.values())))

</pallas_src>

<mosaic_0001>
#map = affine_map<(d0, d1) -> (0, 0)>
#map1 = affine_map<(d0, d1) -> (0, 0, 0)>
module attributes {stable_mosaic.version = 14 : i64} {
  func.func @_sc_agg(%arg0: i32, %arg1: i32, %arg2: memref<10240x128xf32, #tpu.memory_space<hbm>>, %arg3: memref<32x80x128xi32, #tpu.memory_space<hbm>>, %arg4: memref<32x80x128xi32, #tpu.memory_space<hbm>>, %arg5: memref<2x10240x128xf32, #tpu.memory_space<hbm>>, %arg6: memref<16x128xi32, #tpu.memory_space<vmem>>, %arg7: memref<16x128xi32, #tpu.memory_space<vmem>>, %arg8: memref<2x128x128xf32, #tpu.memory_space<vmem>>, %arg9: memref<10240x128xf32, #tpu.memory_space<vmem_shared>>, %arg10: memref<2x!tpu.dma_semaphore, #tpu.memory_space<semaphore_mem>>) attributes {dimension_semantics = [#tpu.dimension_semantics<core_parallel>, #tpu.dimension_semantics<subcore_parallel>], iteration_bounds = array<i64: 2, 16>, scalar_prefetch = 0 : i64, scratch_operands = 5 : i64, tpu.core_type = #tpu.core_type<sc_vector_subcore>, window_params = [{transform_indices = #map}, {transform_indices = #map1}, {transform_indices = #map1}, {transform_indices = #map1}]} {
    %mul3A = arith.constant 16 : i32
    %mul3A_0 = arith.muli %arg0, %mul3A : i32
    %add3A = arith.addi %mul3A_0, %arg1 : i32
    %broadcast_in_dim3A = arith.constant 0.000000e+00 : f32
    %broadcast_in_dim3A_1 = vector.broadcast %broadcast_in_dim3A : f32 to vector<16xf32>
    %scan3A = arith.constant 0 : i32
    %scan3A_2 = arith.constant 128 : i32
    %scan3A_3 = arith.addi %scan3A, %scan3A_2 : i32
    %scan3A_4 = arith.constant 1 : i32
    scf.for %scan3A_40 = %scan3A to %scan3A_3 step %scan3A_4  : i32 {
      %mul3A_41 = arith.constant 1 : i32
      %mul3A_42 = arith.muli %scan3A_40, %mul3A_41 : i32
      %add3A_43 = arith.constant 0 : i32
      %add3A_44 = arith.addi %add3A_43, %mul3A_42 : i32
      %swap3A = arith.constant 0 : i32
      %swap3A_45 = arith.index_cast %swap3A : i32 to index
      %swap3A_46 = arith.index_cast %add3A_44 : i32 to index
      %swap3A_47 = arith.constant 0 : index
      %swap3A_48 = tpu.vector_load %arg8[%swap3A_45, %swap3A_46, %swap3A_47] {strides = array<i32>} : memref<2x128x128xf32, #tpu.memory_space<vmem>>, vector<1x1x16xf32>,
      %swap3A_49 = vector.shape_cast %swap3A_48 : vector<1x1x16xf32> to vector<16xf32>
      %swap3A_50 = vector.shape_cast %broadcast_in_dim3A_1 : vector<16xf32> to vector<1x1x16xf32>
      tpu.vector_store %arg8[%swap3A_45, %swap3A_46, %swap3A_47], %swap3A_50 {strides = array<i32>} : memref<2x128x128xf32, #tpu.memory_space<vmem>>, vector<1x1x16xf32>,
      %swap3A_51 = arith.constant 0 : i32
      %swap3A_52 = arith.index_cast %swap3A_51 : i32 to index
      %swap3A_53 = arith.index_cast %add3A_44 : i32 to index
      %swap3A_54 = arith.constant 16 : index
      %swap3A_55 = tpu.vector_load %arg8[%swap3A_52, %swap3A_53, %swap3A_54] {strides = array<i32>} : memref<2x128x128xf32, #tpu.memory_space<vmem>>, vector<1x1x16xf32>,
      %swap3A_56 = vector.shape_cast %swap3A_55 : vector<1x1x16xf32> to vector<16xf32>
      %swap3A_57 = vector.shape_cast %broadcast_in_dim3A_1 : vector<16xf32> to vector<1x1x16xf32>
      tpu.vector_store %arg8[%swap3A_52, %swap3A_53, %swap3A_54], %swap3A_57 {strides = array<i32>} : memref<2x128x128xf32, #tpu.memory_space<vmem>>, vector<1x1x16xf32>,
      %swap3A_58 = arith.constant 0 : i32
      %swap3A_59 = arith.index_cast %swap3A_58 : i32 to index
      %swap3A_60 = arith.index_cast %add3A_44 : i32 to index
      %swap3A_61 = arith.constant 32 : index
      %swap3A_62 = tpu.vector_load %arg8[%swap3A_59, %swap3A_60, %swap3A_61] {strides = array<i32>} : memref<2x128x128xf32, #tpu.memory_space<vmem>>, vector<1x1x16xf32>,
      %swap3A_63 = vector.shape_cast %swap3A_62 : vector<1x1x16xf32> to vector<16xf32>
      %swap3A_64 = vector.shape_cast %broadcast_in_dim3A_1 : vector<16xf32> to vector<1x1x16xf32>
      tpu.vector_store %arg8[%swap3A_59, %swap3A_60, %swap3A_61], %swap3A_64 {strides = array<i32>} : memref<2x128x128xf32, #tpu.memory_space<vmem>>, vector<1x1x16xf32>,
      %swap3A_65 = arith.constant 0 : i32
      %swap3A_66 = arith.index_cast %swap3A_65 : i32 to index
      %swap3A_67 = arith.index_cast %add3A_44 : i32 to index
      %swap3A_68 = arith.constant 48 : index
      %swap3A_69 = tpu.vector_load %arg8[%swap3A_66, %swap3A_67, %swap3A_68] {strides = array<i32>} : memref<2x128x128xf32, #tpu.memory_space<vmem>>, vector<1x1x16xf32>,
      %swap3A_70 = vector.shape_cast %swap3A_69 : vector<1x1x16xf32> to vector<16xf32>
      %swap3A_71 = vector.shape_cast %broadcast_in_dim3A_1 : vector<16xf32> to vector<1x1x16xf32>
      tpu.vector_store %arg8[%swap3A_66, %swap3A_67, %swap3A_68], %swap3A_71 {strides = array<i32>} : memref<2x128x128xf32, #tpu.memory_space<vmem>>, vector<1x1x16xf32>,
      %swap3A_72 = arith.constant 0 : i32
      %swap3A_73 = arith.index_cast %swap3A_72 : i32 to index
      %swap3A_74 = arith.index_cast %add3A_44 : i32 to index
      %swap3A_75 = arith.constant 64 : index
      %swap3A_76 = tpu.vector_load %arg8[%swap3A_73, %swap3A_74, %swap3A_75] {strides = array<i32>} : memref<2x128x128xf32, #tpu.memory_space<vmem>>, vector<1x1x16xf32>,
      %swap3A_77 = vector.shape_cast %swap3A_76 : vector<1x1x16xf32> to vector<16xf32>
      %swap3A_78 = vector.shape_cast %broadcast_in_dim3A_1 : vector<16xf32> to vector<1x1x16xf32>
      tpu.vector_store %arg8[%swap3A_73, %swap3A_74, %swap3A_75], %swap3A_78 {strides = array<i32>} : memref<2x128x128xf32, #tpu.memory_space<vmem>>, vector<1x1x16xf32>,
      %swap3A_79 = arith.constant 0 : i32
      %swap3A_80 = arith.index_cast %swap3A_79 : i32 to index
      %swap3A_81 = arith.index_cast %add3A_44 : i32 to index
      %swap3A_82 = arith.constant 80 : index
      %swap3A_83 = tpu.vector_load %arg8[%swap3A_80, %swap3A_81, %swap3A_82] {strides = array<i32>} : memref<2x128x128xf32, #tpu.memory_space<vmem>>, vector<1x1x16xf32>,
      %swap3A_84 = vector.shape_cast %swap3A_83 : vector<1x1x16xf32> to vector<16xf32>
      %swap3A_85 = vector.shape_cast %broadcast_in_dim3A_1 : vector<16xf32> to vector<1x1x16xf32>
      tpu.vector_store %arg8[%swap3A_80, %swap3A_81, %swap3A_82], %swap3A_85 {strides = array<i32>} : memref<2x128x128xf32, #tpu.memory_space<vmem>>, vector<1x1x16xf32>,
      %swap3A_86 = arith.constant 0 : i32
      %swap3A_87 = arith.index_cast %swap3A_86 : i32 to index
      %swap3A_88 = arith.index_cast %add3A_44 : i32 to index
      %swap3A_89 = arith.constant 96 : index
      %swap3A_90 = tpu.vector_load %arg8[%swap3A_87, %swap3A_88, %swap3A_89] {strides = array<i32>} : memref<2x128x128xf32, #tpu.memory_space<vmem>>, vector<1x1x16xf32>,
      %swap3A_91 = vector.shape_cast %swap3A_90 : vector<1x1x16xf32> to vector<16xf32>
      %swap3A_92 = vector.shape_cast %broadcast_in_dim3A_1 : vector<16xf32> to vector<1x1x16xf32>
      tpu.vector_store %arg8[%swap3A_87, %swap3A_88, %swap3A_89], %swap3A_92 {strides = array<i32>} : memref<2x128x128xf32, #tpu.memory_space<vmem>>, vector<1x1x16xf32>,
      %swap3A_93 = arith.constant 0 : i32
      %swap3A_94 = arith.index_cast %swap3A_93 : i32 to index
      %swap3A_95 = arith.index_cast %add3A_44 : i32 to index
      %swap3A_96 = arith.constant 112 : index
      %swap3A_97 = tpu.vector_load %arg8[%swap3A_94, %swap3A_95, %swap3A_96] {strides = array<i32>} : memref<2x128x128xf32, #tpu.memory_space<vmem>>, vector<1x1x16xf32>,
      %swap3A_98 = vector.shape_cast %swap3A_97 : vector<1x1x16xf32> to vector<16xf32>
      %swap3A_99 = vector.shape_cast %broadcast_in_dim3A_1 : vector<16xf32> to vector<1x1x16xf32>
      tpu.vector_store %arg8[%swap3A_94, %swap3A_95, %swap3A_96], %swap3A_99 {strides = array<i32>} : memref<2x128x128xf32, #tpu.memory_space<vmem>>, vector<1x1x16xf32>,
    }
    %scan3A_5 = arith.constant 128 : i32
    %mul3A_6 = arith.constant 640 : i32
    %mul3A_7 = arith.muli %arg1, %mul3A_6 : i32
    %add3A_8 = arith.constant 0 : i32
    %add3A_9 = arith.addi %mul3A_7, %add3A_8 : i32
    %run_scoped3A = arith.constant 0 : i32
    "tpu.region"() ({
      %run_scoped3A_40 = tpu.sem_alloc : memref<!tpu.dma_semaphore, #tpu.memory_space<semaphore_mem>>
      %dma_start3A = arith.constant 0 : i32
      %dma_start3A_41 = arith.constant 0 : i32
      %dma_start3A_42 = tpu.memref_slice %arg8[%run_scoped3A, %dma_start3A, %dma_start3A_41] : memref<2x128x128xf32, #tpu.memory_space<vmem>> -> memref<1x128x128xf32, #tpu.memory_space<vmem>>
      %dma_start3A_43 = tpu.memref_squeeze %dma_start3A_42 : memref<1x128x128xf32, #tpu.memory_space<vmem>> -> memref<128x128xf32, #tpu.memory_space<vmem>>
      %dma_start3A_44 = arith.constant 0 : i32
      %dma_start3A_45 = tpu.memref_slice %arg9[%add3A_9, %dma_start3A_44] : memref<10240x128xf32, #tpu.memory_space<vmem_shared>> -> memref<128x128xf32, #tpu.memory_space<vmem_shared>>
      %dma_start3A_46 = arith.constant 0 : i32
      %dma_start3A_47 = tpu.memref_slice %arg9[%add3A_9, %dma_start3A_46] : memref<10240x128xf32, #tpu.memory_space<vmem_shared>> -> memref<128x128xf32, #tpu.memory_space<vmem_shared>>
      %dma_start3A_48 = arith.constant 0 : i32
      %dma_start3A_49 = arith.constant 0 : i32
      %dma_start3A_50 = tpu.memref_slice %arg8[%run_scoped3A, %dma_start3A_48, %dma_start3A_49] : memref<2x128x128xf32, #tpu.memory_space<vmem>> -> memref<1x128x128xf32, #tpu.memory_space<vmem>>
      %dma_start3A_51 = tpu.memref_squeeze %dma_start3A_50 : memref<1x128x128xf32, #tpu.memory_space<vmem>> -> memref<128x128xf32, #tpu.memory_space<vmem>>
      tpu.enqueue_dma source(%dma_start3A_51 : memref<128x128xf32, #tpu.memory_space<vmem>>) target(%dma_start3A_47 : memref<128x128xf32, #tpu.memory_space<vmem_shared>>) target_semaphore(%run_scoped3A_40 : memref<!tpu.dma_semaphore, #tpu.memory_space<semaphore_mem>>)
      %dma_wait3A = arith.constant 0 : i32
      %dma_wait3A_52 = arith.constant 0 : i32
      %dma_wait3A_53 = tpu.memref_slice %arg8[%run_scoped3A, %dma_wait3A, %dma_wait3A_52] : memref<2x128x128xf32, #tpu.memory_space<vmem>> -> memref<1x128x128xf32, #tpu.memory_space<vmem>>
      %dma_wait3A_54 = tpu.memref_squeeze %dma_wait3A_53 : memref<1x128x128xf32, #tpu.memory_space<vmem>> -> memref<128x128xf32, #tpu.memory_space<vmem>>
      %dma_wait3A_55 = arith.constant 0 : i32
      %dma_wait3A_56 = tpu.memref_slice %arg9[%add3A_9, %dma_wait3A_55] : memref<10240x128xf32, #tpu.memory_space<vmem_shared>> -> memref<128x128xf32, #tpu.memory_space<vmem_shared>>
      %dma_wait3A_57 = arith.constant 0 : i32
      %dma_wait3A_58 = tpu.memref_slice %arg9[%add3A_9, %dma_wait3A_57] : memref<10240x128xf32, #tpu.memory_space<vmem_shared>> -> memref<128x128xf32, #tpu.memory_space<vmem_shared>>
      %dma_wait3A_59 = arith.constant 0 : i32
      %dma_wait3A_60 = arith.constant 0 : i32
      %dma_wait3A_61 = tpu.memref_slice %arg8[%run_scoped3A, %dma_wait3A_59, %dma_wait3A_60] : memref<2x128x128xf32, #tpu.memory_space<vmem>> -> memref<1x128x128xf32, #tpu.memory_space<vmem>>
      %dma_wait3A_62 = tpu.memref_squeeze %dma_wait3A_61 : memref<1x128x128xf32, #tpu.memory_space<vmem>> -> memref<128x128xf32, #tpu.memory_space<vmem>>
      tpu.wait_dma2 semaphore(%run_scoped3A_40 : memref<!tpu.dma_semaphore, #tpu.memory_space<semaphore_mem>>) src(%dma_wait3A_62 : memref<128x128xf32, #tpu.memory_space<vmem>>) dst(%dma_wait3A_58 : memref<128x128xf32, #tpu.memory_space<vmem_shared>>)
      tpu.yield
    }) : () -> ()
    %mul3A_10 = arith.constant 640 : i32
    %mul3A_11 = arith.muli %arg1, %mul3A_10 : i32
    %add3A_12 = arith.constant 128 : i32
    %add3A_13 = arith.addi %mul3A_11, %add3A_12 : i32
    %run_scoped3A_14 = arith.constant 0 : i32
    "tpu.region"() ({
      %run_scoped3A_40 = tpu.sem_alloc : memref<!tpu.dma_semaphore, #tpu.memory_space<semaphore_mem>>
      %dma_start3A = arith.constant 0 : i32
      %dma_start3A_41 = arith.constant 0 : i32
      %dma_start3A_42 = tpu.memref_slice %arg8[%run_scoped3A_14, %dma_start3A, %dma_start3A_41] : memref<2x128x128xf32, #tpu.memory_space<vmem>> -> memref<1x128x128xf32, #tpu.memory_space<vmem>>
      %dma_start3A_43 = tpu.memref_squeeze %dma_start3A_42 : memref<1x128x128xf32, #tpu.memory_space<vmem>> -> memref<128x128xf32, #tpu.memory_space<vmem>>
      %dma_start3A_44 = arith.constant 0 : i32
      %dma_start3A_45 = tpu.memref_slice %arg9[%add3A_13, %dma_start3A_44] : memref<10240x128xf32, #tpu.memory_space<vmem_shared>> -> memref<128x128xf32, #tpu.memory_space<vmem_shared>>
      %dma_start3A_46 = arith.constant 0 : i32
      %dma_start3A_47 = tpu.memref_slice %arg9[%add3A_13, %dma_start3A_46] : memref<10240x128xf32, #tpu.memory_space<vmem_shared>> -> memref<128x128xf32, #tpu.memory_space<vmem_shared>>
      %dma_start3A_48 = arith.constant 0 : i32
      %dma_start3A_49 = arith.constant 0 : i32
      %dma_start3A_50 = tpu.memref_slice %arg8[%run_scoped3A_14, %dma_start3A_48, %dma_start3A_49] : memref<2x128x128xf32, #tpu.memory_space<vmem>> -> memref<1x128x128xf32, #tpu.memory_space<vmem>>
      %dma_start3A_51 = tpu.memref_squeeze %dma_start3A_50 : memref<1x128x128xf32, #tpu.memory_space<vmem>> -> memref<128x128xf32, #tpu.memory_space<vmem>>
      tpu.enqueue_dma source(%dma_start3A_51 : memref<128x128xf32, #tpu.memory_space<vmem>>) target(%dma_start3A_47 : memref<128x128xf32, #tpu.memory_space<vmem_shared>>) target_semaphore(%run_scoped3A_40 : memref<!tpu.dma_semaphore, #tpu.memory_space<semaphore_mem>>)
      %dma_wait3A = arith.constant 0 : i32
      %dma_wait3A_52 = arith.constant 0 : i32
      %dma_wait3A_53 = tpu.memref_slice %arg8[%run_scoped3A_14, %dma_wait3A, %dma_wait3A_52] : memref<2x128x128xf32, #tpu.memory_space<vmem>> -> memref<1x128x128xf32, #tpu.memory_space<vmem>>
      %dma_wait3A_54 = tpu.memref_squeeze %dma_wait3A_53 : memref<1x128x128xf32, #tpu.memory_space<vmem>> -> memref<128x128xf32, #tpu.memory_space<vmem>>
      %dma_wait3A_55 = arith.constant 0 : i32
      %dma_wait3A_56 = tpu.memref_slice %arg9[%add3A_13, %dma_wait3A_55] : memref<10240x128xf32, #tpu.memory_space<vmem_shared>> -> memref<128x128xf32, #tpu.memory_space<vmem_shared>>
      %dma_wait3A_57 = arith.constant 0 : i32
      %dma_wait3A_58 = tpu.memref_slice %arg9[%add3A_13, %dma_wait3A_57] : memref<10240x128xf32, #tpu.memory_space<vmem_shared>> -> memref<128x128xf32, #tpu.memory_space<vmem_shared>>
      %dma_wait3A_59 = arith.constant 0 : i32
      %dma_wait3A_60 = arith.constant 0 : i32
      %dma_wait3A_61 = tpu.memref_slice %arg8[%run_scoped3A_14, %dma_wait3A_59, %dma_wait3A_60] : memref<2x128x128xf32, #tpu.memory_space<vmem>> -> memref<1x128x128xf32, #tpu.memory_space<vmem>>
      %dma_wait3A_62 = tpu.memref_squeeze %dma_wait3A_61 : memref<1x128x128xf32, #tpu.memory_space<vmem>> -> memref<128x128xf32, #tpu.memory_space<vmem>>
      tpu.wait_dma2 semaphore(%run_scoped3A_40 : memref<!tpu.dma_semaphore, #tpu.memory_space<semaphore_mem>>) src(%dma_wait3A_62 : memref<128x128xf32, #tpu.memory_space<vmem>>) dst(%dma_wait3A_58 : memref<128x128xf32, #tpu.memory_space<vmem_shared>>)
      tpu.yield
    }) : () -> ()
    %mul3A_15 = arith.constant 640 : i32
    %mul3A_16 = arith.muli %arg1, %mul3A_15 : i32
    %add3A_17 = arith.constant 256 : i32
    %add3A_18 = arith.addi %mul3A_16, %add3A_17 : i32
    %run_scoped3A_19 = arith.constant 0 : i32
    "tpu.region"() ({
      %run_scoped3A_40 = tpu.sem_alloc : memref<!tpu.dma_semaphore, #tpu.memory_space<semaphore_mem>>
      %dma_start3A = arith.constant 0 : i32
      %dma_start3A_41 = arith.constant 0 : i32
      %dma_start3A_42 = tpu.memref_slice %arg8[%run_scoped3A_19, %dma_start3A, %dma_start3A_41] : memref<2x128x128xf32, #tpu.memory_space<vmem>> -> memref<1x128x128xf32, #tpu.memory_space<vmem>>
      %dma_start3A_43 = tpu.memref_squeeze %dma_start3A_42 : memref<1x128x128xf32, #tpu.memory_space<vmem>> -> memref<128x128xf32, #tpu.memory_space<vmem>>
      %dma_start3A_44 = arith.constant 0 : i32
      %dma_start3A_45 = tpu.memref_slice %arg9[%add3A_18, %dma_start3A_44] : memref<10240x128xf32, #tpu.memory_space<vmem_shared>> -> memref<128x128xf32, #tpu.memory_space<vmem_shared>>
      %dma_start3A_46 = arith.constant 0 : i32
      %dma_start3A_47 = tpu.memref_slice %arg9[%add3A_18, %dma_start3A_46] : memref<10240x128xf32, #tpu.memory_space<vmem_shared>> -> memref<128x128xf32, #tpu.memory_space<vmem_shared>>
      %dma_start3A_48 = arith.constant 0 : i32
      %dma_start3A_49 = arith.constant 0 : i32
      %dma_start3A_50 = tpu.memref_slice %arg8[%run_scoped3A_19, %dma_start3A_48, %dma_start3A_49] : memref<2x128x128xf32, #tpu.memory_space<vmem>> -> memref<1x128x128xf32, #tpu.memory_space<vmem>>
      %dma_start3A_51 = tpu.memref_squeeze %dma_start3A_50 : memref<1x128x128xf32, #tpu.memory_space<vmem>> -> memref<128x128xf32, #tpu.memory_space<vmem>>
      tpu.enqueue_dma source(%dma_start3A_51 : memref<128x128xf32, #tpu.memory_space<vmem>>) target(%dma_start3A_47 : memref<128x128xf32, #tpu.memory_space<vmem_shared>>) target_semaphore(%run_scoped3A_40 : memref<!tpu.dma_semaphore, #tpu.memory_space<semaphore_mem>>)
      %dma_wait3A = arith.constant 0 : i32
      %dma_wait3A_52 = arith.constant 0 : i32
      %dma_wait3A_53 = tpu.memref_slice %arg8[%run_scoped3A_19, %dma_wait3A, %dma_wait3A_52] : memref<2x128x128xf32, #tpu.memory_space<vmem>> -> memref<1x128x128xf32, #tpu.memory_space<vmem>>
      %dma_wait3A_54 = tpu.memref_squeeze %dma_wait3A_53 : memref<1x128x128xf32, #tpu.memory_space<vmem>> -> memref<128x128xf32, #tpu.memory_space<vmem>>
      %dma_wait3A_55 = arith.constant 0 : i32
      %dma_wait3A_56 = tpu.memref_slice %arg9[%add3A_18, %dma_wait3A_55] : memref<10240x128xf32, #tpu.memory_space<vmem_shared>> -> memref<128x128xf32, #tpu.memory_space<vmem_shared>>
      %dma_wait3A_57 = arith.constant 0 : i32
      %dma_wait3A_58 = tpu.memref_slice %arg9[%add3A_18, %dma_wait3A_57] : memref<10240x128xf32, #tpu.memory_space<vmem_shared>> -> memref<128x128xf32, #tpu.memory_space<vmem_shared>>
      %dma_wait3A_59 = arith.constant 0 : i32
      %dma_wait3A_60 = arith.constant 0 : i32
      %dma_wait3A_61 = tpu.memref_slice %arg8[%run_scoped3A_19, %dma_wait3A_59, %dma_wait3A_60] : memref<2x128x128xf32, #tpu.memory_space<vmem>> -> memref<1x128x128xf32, #tpu.memory_space<vmem>>
      %dma_wait3A_62 = tpu.memref_squeeze %dma_wait3A_61 : memref<1x128x128xf32, #tpu.memory_space<vmem>> -> memref<128x128xf32, #tpu.memory_space<vmem>>
      tpu.wait_dma2 semaphore(%run_scoped3A_40 : memref<!tpu.dma_semaphore, #tpu.memory_space<semaphore_mem>>) src(%dma_wait3A_62 : memref<128x128xf32, #tpu.memory_space<vmem>>) dst(%dma_wait3A_58 : memref<128x128xf32, #tpu.memory_space<vmem_shared>>)
      tpu.yield
    }) : () -> ()
    %mul3A_20 = arith.constant 640 : i32
    %mul3A_21 = arith.muli %arg1, %mul3A_20 : i32
    %add3A_22 = arith.constant 384 : i32
    %add3A_23 = arith.addi %mul3A_21, %add3A_22 : i32
    %run_scoped3A_24 = arith.constant 0 : i32
    "tpu.region"() ({
      %run_scoped3A_40 = tpu.sem_alloc : memref<!tpu.dma_semaphore, #tpu.memory_space<semaphore_mem>>
      %dma_start3A = arith.constant 0 : i32
      %dma_start3A_41 = arith.constant 0 : i32
      %dma_start3A_42 = tpu.memref_slice %arg8[%run_scoped3A_24, %dma_start3A, %dma_start3A_41] : memref<2x128x128xf32, #tpu.memory_space<vmem>> -> memref<1x128x128xf32, #tpu.memory_space<vmem>>
      %dma_start3A_43 = tpu.memref_squeeze %dma_start3A_42 : memref<1x128x128xf32, #tpu.memory_space<vmem>> -> memref<128x128xf32, #tpu.memory_space<vmem>>
      %dma_start3A_44 = arith.constant 0 : i32
      %dma_start3A_45 = tpu.memref_slice %arg9[%add3A_23, %dma_start3A_44] : memref<10240x128xf32, #tpu.memory_space<vmem_shared>> -> memref<128x128xf32, #tpu.memory_space<vmem_shared>>
      %dma_start3A_46 = arith.constant 0 : i32
      %dma_start3A_47 = tpu.memref_slice %arg9[%add3A_23, %dma_start3A_46] : memref<10240x128xf32, #tpu.memory_space<vmem_shared>> -> memref<128x128xf32, #tpu.memory_space<vmem_shared>>
      %dma_start3A_48 = arith.constant 0 : i32
      %dma_start3A_49 = arith.constant 0 : i32
      %dma_start3A_50 = tpu.memref_slice %arg8[%run_scoped3A_24, %dma_start3A_48, %dma_start3A_49] : memref<2x128x128xf32, #tpu.memory_space<vmem>> -> memref<1x128x128xf32, #tpu.memory_space<vmem>>
      %dma_start3A_51 = tpu.memref_squeeze %dma_start3A_50 : memref<1x128x128xf32, #tpu.memory_space<vmem>> -> memref<128x128xf32, #tpu.memory_space<vmem>>
      tpu.enqueue_dma source(%dma_start3A_51 : memref<128x128xf32, #tpu.memory_space<vmem>>) target(%dma_start3A_47 : memref<128x128xf32, #tpu.memory_space<vmem_shared>>) target_semaphore(%run_scoped3A_40 : memref<!tpu.dma_semaphore, #tpu.memory_space<semaphore_mem>>)
      %dma_wait3A = arith.constant 0 : i32
      %dma_wait3A_52 = arith.constant 0 : i32
      %dma_wait3A_53 = tpu.memref_slice %arg8[%run_scoped3A_24, %dma_wait3A, %dma_wait3A_52] : memref<2x128x128xf32, #tpu.memory_space<vmem>> -> memref<1x128x128xf32, #tpu.memory_space<vmem>>
      %dma_wait3A_54 = tpu.memref_squeeze %dma_wait3A_53 : memref<1x128x128xf32, #tpu.memory_space<vmem>> -> memref<128x128xf32, #tpu.memory_space<vmem>>
      %dma_wait3A_55 = arith.constant 0 : i32
      %dma_wait3A_56 = tpu.memref_slice %arg9[%add3A_23, %dma_wait3A_55] : memref<10240x128xf32, #tpu.memory_space<vmem_shared>> -> memref<128x128xf32, #tpu.memory_space<vmem_shared>>
      %dma_wait3A_57 = arith.constant 0 : i32
      %dma_wait3A_58 = tpu.memref_slice %arg9[%add3A_23, %dma_wait3A_57] : memref<10240x128xf32, #tpu.memory_space<vmem_shared>> -> memref<128x128xf32, #tpu.memory_space<vmem_shared>>
      %dma_wait3A_59 = arith.constant 0 : i32
      %dma_wait3A_60 = arith.constant 0 : i32
      %dma_wait3A_61 = tpu.memref_slice %arg8[%run_scoped3A_24, %dma_wait3A_59, %dma_wait3A_60] : memref<2x128x128xf32, #tpu.memory_space<vmem>> -> memref<1x128x128xf32, #tpu.memory_space<vmem>>
      %dma_wait3A_62 = tpu.memref_squeeze %dma_wait3A_61 : memref<1x128x128xf32, #tpu.memory_space<vmem>> -> memref<128x128xf32, #tpu.memory_space<vmem>>
      tpu.wait_dma2 semaphore(%run_scoped3A_40 : memref<!tpu.dma_semaphore, #tpu.memory_space<semaphore_mem>>) src(%dma_wait3A_62 : memref<128x128xf32, #tpu.memory_space<vmem>>) dst(%dma_wait3A_58 : memref<128x128xf32, #tpu.memory_space<vmem_shared>>)
      tpu.yield
    }) : () -> ()
    %mul3A_25 = arith.constant 640 : i32
    %mul3A_26 = arith.muli %arg1, %mul3A_25 : i32
    %add3A_27 = arith.constant 512 : i32
    %add3A_28 = arith.addi %mul3A_26, %add3A_27 : i32
    %run_scoped3A_29 = arith.constant 0 : i32
    "tpu.region"() ({
      %run_scoped3A_40 = tpu.sem_alloc : memref<!tpu.dma_semaphore, #tpu.memory_space<semaphore_mem>>
      %dma_start3A = arith.constant 0 : i32
      %dma_start3A_41 = arith.constant 0 : i32
      %dma_start3A_42 = tpu.memref_slice %arg8[%run_scoped3A_29, %dma_start3A, %dma_start3A_41] : memref<2x128x128xf32, #tpu.memory_space<vmem>> -> memref<1x128x128xf32, #tpu.memory_space<vmem>>
      %dma_start3A_43 = tpu.memref_squeeze %dma_start3A_42 : memref<1x128x128xf32, #tpu.memory_space<vmem>> -> memref<128x128xf32, #tpu.memory_space<vmem>>
      %dma_start3A_44 = arith.constant 0 : i32
      %dma_start3A_45 = tpu.memref_slice %arg9[%add3A_28, %dma_start3A_44] : memref<10240x128xf32, #tpu.memory_space<vmem_shared>> -> memref<128x128xf32, #tpu.memory_space<vmem_shared>>
      %dma_start3A_46 = arith.constant 0 : i32
      %dma_start3A_47 = tpu.memref_slice %arg9[%add3A_28, %dma_start3A_46] : memref<10240x128xf32, #tpu.memory_space<vmem_shared>> -> memref<128x128xf32, #tpu.memory_space<vmem_shared>>
      %dma_start3A_48 = arith.constant 0 : i32
      %dma_start3A_49 = arith.constant 0 : i32
      %dma_start3A_50 = tpu.memref_slice %arg8[%run_scoped3A_29, %dma_start3A_48, %dma_start3A_49] : memref<2x128x128xf32, #tpu.memory_space<vmem>> -> memref<1x128x128xf32, #tpu.memory_space<vmem>>
      %dma_start3A_51 = tpu.memref_squeeze %dma_start3A_50 : memref<1x128x128xf32, #tpu.memory_space<vmem>> -> memref<128x128xf32, #tpu.memory_space<vmem>>
      tpu.enqueue_dma source(%dma_start3A_51 : memref<128x128xf32, #tpu.memory_space<vmem>>) target(%dma_start3A_47 : memref<128x128xf32, #tpu.memory_space<vmem_shared>>) target_semaphore(%run_scoped3A_40 : memref<!tpu.dma_semaphore, #tpu.memory_space<semaphore_mem>>)
      %dma_wait3A = arith.constant 0 : i32
      %dma_wait3A_52 = arith.constant 0 : i32
      %dma_wait3A_53 = tpu.memref_slice %arg8[%run_scoped3A_29, %dma_wait3A, %dma_wait3A_52] : memref<2x128x128xf32, #tpu.memory_space<vmem>> -> memref<1x128x128xf32, #tpu.memory_space<vmem>>
      %dma_wait3A_54 = tpu.memref_squeeze %dma_wait3A_53 : memref<1x128x128xf32, #tpu.memory_space<vmem>> -> memref<128x128xf32, #tpu.memory_space<vmem>>
      %dma_wait3A_55 = arith.constant 0 : i32
      %dma_wait3A_56 = tpu.memref_slice %arg9[%add3A_28, %dma_wait3A_55] : memref<10240x128xf32, #tpu.memory_space<vmem_shared>> -> memref<128x128xf32, #tpu.memory_space<vmem_shared>>
      %dma_wait3A_57 = arith.constant 0 : i32
      %dma_wait3A_58 = tpu.memref_slice %arg9[%add3A_28, %dma_wait3A_57] : memref<10240x128xf32, #tpu.memory_space<vmem_shared>> -> memref<128x128xf32, #tpu.memory_space<vmem_shared>>
      %dma_wait3A_59 = arith.constant 0 : i32
      %dma_wait3A_60 = arith.constant 0 : i32
      %dma_wait3A_61 = tpu.memref_slice %arg8[%run_scoped3A_29, %dma_wait3A_59, %dma_wait3A_60] : memref<2x128x128xf32, #tpu.memory_space<vmem>> -> memref<1x128x128xf32, #tpu.memory_space<vmem>>
      %dma_wait3A_62 = tpu.memref_squeeze %dma_wait3A_61 : memref<1x128x128xf32, #tpu.memory_space<vmem>> -> memref<128x128xf32, #tpu.memory_space<vmem>>
      tpu.wait_dma2 semaphore(%run_scoped3A_40 : memref<!tpu.dma_semaphore, #tpu.memory_space<semaphore_mem>>) src(%dma_wait3A_62 : memref<128x128xf32, #tpu.memory_space<vmem>>) dst(%dma_wait3A_58 : memref<128x128xf32, #tpu.memory_space<vmem_shared>>)
      tpu.yield
    }) : () -> ()
    %barrier3A = arith.constant 0 : index
    tpu.barrier barrier_id(%barrier3A)
    %scan3A_30 = arith.constant 0 : i32
    %scan3A_31 = arith.constant 5 : i32
    %scan3A_32 = arith.addi %scan3A_30, %scan3A_31 : i32
    %scan3A_33 = arith.constant 1 : i32
    scf.for %scan3A_40 = %scan3A_30 to %scan3A_32 step %scan3A_33  : i32 {
      %mul3A_41 = arith.constant 1 : i32
      %mul3A_42 = arith.muli %scan3A_40, %mul3A_41 : i32
      %add3A_43 = arith.constant 0 : i32
      %add3A_44 = arith.addi %add3A_43, %mul3A_42 : i32
      %mul3A_45 = arith.constant 16 : i32
      %mul3A_46 = arith.muli %add3A_44, %mul3A_45 : i32
      "tpu.region"() ({
        %run_scoped3A_68 = tpu.sem_alloc : memref<!tpu.dma_semaphore, #tpu.memory_space<semaphore_mem>>
        %dma_start3A_69 = arith.constant 0 : i32
        %dma_start3A_70 = tpu.memref_slice %arg3[%add3A, %mul3A_46, %dma_start3A_69] : memref<32x80x128xi32, #tpu.memory_space<hbm>> -> memref<1x16x128xi32, #tpu.memory_space<hbm>>
        %dma_start3A_71 = tpu.memref_squeeze %dma_start3A_70 : memref<1x16x128xi32, #tpu.memory_space<hbm>> -> memref<16x128xi32, #tpu.memory_space<hbm>>
        %dma_start3A_72 = arith.constant 0 : i32
        %dma_start3A_73 = tpu.memref_slice %arg3[%add3A, %mul3A_46, %dma_start3A_72] : memref<32x80x128xi32, #tpu.memory_space<hbm>> -> memref<1x16x128xi32, #tpu.memory_space<hbm>>
        %dma_start3A_74 = tpu.memref_squeeze %dma_start3A_73 : memref<1x16x128xi32, #tpu.memory_space<hbm>> -> memref<16x128xi32, #tpu.memory_space<hbm>>
        tpu.enqueue_dma source(%dma_start3A_74 : memref<16x128xi32, #tpu.memory_space<hbm>>) target(%arg6 : memref<16x128xi32, #tpu.memory_space<vmem>>) target_semaphore(%run_scoped3A_68 : memref<!tpu.dma_semaphore, #tpu.memory_space<semaphore_mem>>)
        %dma_wait3A = arith.constant 0 : i32
        %dma_wait3A_75 = tpu.memref_slice %arg3[%add3A, %mul3A_46, %dma_wait3A] : memref<32x80x128xi32, #tpu.memory_space<hbm>> -> memref<1x16x128xi32, #tpu.memory_space<hbm>>
        %dma_wait3A_76 = tpu.memref_squeeze %dma_wait3A_75 : memref<1x16x128xi32, #tpu.memory_space<hbm>> -> memref<16x128xi32, #tpu.memory_space<hbm>>
        %dma_wait3A_77 = arith.constant 0 : i32
        %dma_wait3A_78 = tpu.memref_slice %arg3[%add3A, %mul3A_46, %dma_wait3A_77] : memref<32x80x128xi32, #tpu.memory_space<hbm>> -> memref<1x16x128xi32, #tpu.memory_space<hbm>>
        %dma_wait3A_79 = tpu.memref_squeeze %dma_wait3A_78 : memref<1x16x128xi32, #tpu.memory_space<hbm>> -> memref<16x128xi32, #tpu.memory_space<hbm>>
        tpu.wait_dma2 semaphore(%run_scoped3A_68 : memref<!tpu.dma_semaphore, #tpu.memory_space<semaphore_mem>>) src(%dma_wait3A_79 : memref<16x128xi32, #tpu.memory_space<hbm>>) dst(%arg6 : memref<16x128xi32, #tpu.memory_space<vmem>>)
        tpu.yield
      }) : () -> ()
      %mul3A_47 = arith.constant 16 : i32
      %mul3A_48 = arith.muli %add3A_44, %mul3A_47 : i32
      "tpu.region"() ({
        %run_scoped3A_68 = tpu.sem_alloc : memref<!tpu.dma_semaphore, #tpu.memory_space<semaphore_mem>>
        %dma_start3A_69 = arith.constant 0 : i32
        %dma_start3A_70 = tpu.memref_slice %arg4[%add3A, %mul3A_48, %dma_start3A_69] : memref<32x80x128xi32, #tpu.memory_space<hbm>> -> memref<1x16x128xi32, #tpu.memory_space<hbm>>
        %dma_start3A_71 = tpu.memref_squeeze %dma_start3A_70 : memref<1x16x128xi32, #tpu.memory_space<hbm>> -> memref<16x128xi32, #tpu.memory_space<hbm>>
        %dma_start3A_72 = arith.constant 0 : i32
        %dma_start3A_73 = tpu.memref_slice %arg4[%add3A, %mul3A_48, %dma_start3A_72] : memref<32x80x128xi32, #tpu.memory_space<hbm>> -> memref<1x16x128xi32, #tpu.memory_space<hbm>>
        %dma_start3A_74 = tpu.memref_squeeze %dma_start3A_73 : memref<1x16x128xi32, #tpu.memory_space<hbm>> -> memref<16x128xi32, #tpu.memory_space<hbm>>
        tpu.enqueue_dma source(%dma_start3A_74 : memref<16x128xi32, #tpu.memory_space<hbm>>) target(%arg7 : memref<16x128xi32, #tpu.memory_space<vmem>>) target_semaphore(%run_scoped3A_68 : memref<!tpu.dma_semaphore, #tpu.memory_space<semaphore_mem>>)
        %dma_wait3A = arith.constant 0 : i32
        %dma_wait3A_75 = tpu.memref_slice %arg4[%add3A, %mul3A_48, %dma_wait3A] : memref<32x80x128xi32, #tpu.memory_space<hbm>> -> memref<1x16x128xi32, #tpu.memory_space<hbm>>
        %dma_wait3A_76 = tpu.memref_squeeze %dma_wait3A_75 : memref<1x16x128xi32, #tpu.memory_space<hbm>> -> memref<16x128xi32, #tpu.memory_space<hbm>>
        %dma_wait3A_77 = arith.constant 0 : i32
        %dma_wait3A_78 = tpu.memref_slice %arg4[%add3A, %mul3A_48, %dma_wait3A_77] : memref<32x80x128xi32, #tpu.memory_space<hbm>> -> memref<1x16x128xi32, #tpu.memory_space<hbm>>
        %dma_wait3A_79 = tpu.memref_squeeze %dma_wait3A_78 : memref<1x16x128xi32, #tpu.memory_space<hbm>> -> memref<16x128xi32, #tpu.memory_space<hbm>>
        tpu.wait_dma2 semaphore(%run_scoped3A_68 : memref<!tpu.dma_semaphore, #tpu.memory_space<semaphore_mem>>) src(%dma_wait3A_79 : memref<16x128xi32, #tpu.memory_space<hbm>>) dst(%arg7 : memref<16x128xi32, #tpu.memory_space<vmem>>)
        tpu.yield
      }) : () -> ()
      %dma_start3A = arith.constant 0 : i32
      %dma_start3A_49 = arith.constant 0 : i32
      %dma_start3A_50 = arith.constant 0 : i32
      %dma_start3A_51 = arith.constant 0 : i32
      %dma_start3A_52 = arith.constant 0 : i32
      %dma_start3A_53 = tpu.memref_slice %arg8[%dma_start3A_49, %dma_start3A_51, %dma_start3A_52] : memref<2x128x128xf32, #tpu.memory_space<vmem>> -> memref<1x128x128xf32, #tpu.memory_space<vmem>>
      %dma_start3A_54 = tpu.memref_squeeze %dma_start3A_53 : memref<1x128x128xf32, #tpu.memory_space<vmem>> -> memref<128x128xf32, #tpu.memory_space<vmem>>
      %dma_start3A_55 = arith.constant 0 : i32
      %dma_start3A_56 = tpu.memref_slice %arg6[%dma_start3A, %dma_start3A_55] : memref<16x128xi32, #tpu.memory_space<vmem>> -> memref<1x128xi32, #tpu.memory_space<vmem>>
      %dma_start3A_57 = tpu.memref_squeeze %dma_start3A_56 : memref<1x128xi32, #tpu.memory_space<vmem>> -> memref<128xi32, #tpu.memory_space<vmem>>
      %dma_start3A_58 = arith.constant 0 : i32
      %dma_start3A_59 = arith.constant 0 : i32
      %dma_start3A_60 = tpu.memref_slice %arg2[%dma_start3A_58, %dma_start3A_59] : memref<10240x128xf32, #tpu.memory_space<hbm>> -> memref<10240x128xf32, #tpu.memory_space<hbm>>
      %dma_start3A_61 = tpu.memref_slice %arg10[%dma_start3A_50] : memref<2x!tpu.dma_semaphore, #tpu.memory_space<semaphore_mem>> -> memref<1x!tpu.dma_semaphore, #tpu.memory_space<semaphore_mem>>
      %dma_start3A_62 = tpu.memref_squeeze %dma_start3A_61 : memref<1x!tpu.dma_semaphore, #tpu.memory_space<semaphore_mem>> -> memref<!tpu.dma_semaphore, #tpu.memory_space<semaphore_mem>>
      tpu.enqueue_indirect_dma source(%dma_start3A_60 : memref<10240x128xf32, #tpu.memory_space<hbm>>) target(%dma_start3A_54 : memref<128x128xf32, #tpu.memory_space<vmem>>) offsets(%dma_start3A_57 : memref<128xi32, #tpu.memory_space<vmem>>) semaphore(%dma_start3A_62 : memref<!tpu.dma_semaphore, #tpu.memory_space<semaphore_mem>>)
      %scan3A_63 = arith.constant 0 : i32
      %scan3A_64 = arith.constant 16 : i32
      %scan3A_65 = arith.addi %scan3A_63, %scan3A_64 : i32
      %scan3A_66 = arith.constant 1 : i32
      scf.for %scan3A_68 = %scan3A_63 to %scan3A_65 step %scan3A_66  : i32 {
        %mul3A_69 = arith.constant 1 : i32
        %mul3A_70 = arith.muli %scan3A_68, %mul3A_69 : i32
        %add3A_71 = arith.constant 0 : i32
        %add3A_72 = arith.addi %add3A_71, %mul3A_70 : i32
        %rem3A = arith.constant 2 : i32
        %rem3A_73 = arith.remsi %add3A_72, %rem3A : i32
        %sub3A = arith.constant 1 : i32
        %sub3A_74 = arith.subi %sub3A, %rem3A_73 : i32
        %add3A_75 = arith.constant 1 : i32
        %add3A_76 = arith.addi %add3A_72, %add3A_75 : i32
        %lt3A = arith.constant 16 : i32
        %lt3A_77 = arith.cmpi slt, %add3A_76, %lt3A : i32
        %convert_element_type3A = arith.extui %lt3A_77 : i1 to i32
        %cond3A = arith.constant 0 : i32
        %cond3A_78 = arith.cmpi ne, %convert_element_type3A, %cond3A : i32
        scf.if %cond3A_78 {
          %add3A_90 = arith.constant 1 : i32
          %add3A_91 = arith.addi %add3A_72, %add3A_90 : i32
          %dma_start3A_92 = arith.constant 0 : i32
          %dma_start3A_93 = arith.constant 0 : i32
          %dma_start3A_94 = tpu.memref_slice %arg8[%sub3A_74, %dma_start3A_92, %dma_start3A_93] : memref<2x128x128xf32, #tpu.memory_space<vmem>> -> memref<1x128x128xf32, #tpu.memory_space<vmem>>
          %dma_start3A_95 = tpu.memref_squeeze %dma_start3A_94 : memref<1x128x128xf32, #tpu.memory_space<vmem>> -> memref<128x128xf32, #tpu.memory_space<vmem>>
          %dma_start3A_96 = arith.constant 0 : i32
          %dma_start3A_97 = tpu.memref_slice %arg6[%add3A_91, %dma_start3A_96] : memref<16x128xi32, #tpu.memory_space<vmem>> -> memref<1x128xi32, #tpu.memory_space<vmem>>
          %dma_start3A_98 = tpu.memref_squeeze %dma_start3A_97 : memref<1x128xi32, #tpu.memory_space<vmem>> -> memref<128xi32, #tpu.memory_space<vmem>>
          %dma_start3A_99 = arith.constant 0 : i32
          %dma_start3A_100 = arith.constant 0 : i32
          %dma_start3A_101 = tpu.memref_slice %arg2[%dma_start3A_99, %dma_start3A_100] : memref<10240x128xf32, #tpu.memory_space<hbm>> -> memref<10240x128xf32, #tpu.memory_space<hbm>>
          %dma_start3A_102 = tpu.memref_slice %arg10[%sub3A_74] : memref<2x!tpu.dma_semaphore, #tpu.memory_space<semaphore_mem>> -> memref<1x!tpu.dma_semaphore, #tpu.memory_space<semaphore_mem>>
          %dma_start3A_103 = tpu.memref_squeeze %dma_start3A_102 : memref<1x!tpu.dma_semaphore, #tpu.memory_space<semaphore_mem>> -> memref<!tpu.dma_semaphore, #tpu.memory_space<semaphore_mem>>
          tpu.enqueue_indirect_dma source(%dma_start3A_101 : memref<10240x128xf32, #tpu.memory_space<hbm>>) target(%dma_start3A_95 : memref<128x128xf32, #tpu.memory_space<vmem>>) offsets(%dma_start3A_98 : memref<128xi32, #tpu.memory_space<vmem>>) semaphore(%dma_start3A_103 : memref<!tpu.dma_semaphore, #tpu.memory_space<semaphore_mem>>)
        } else {
        }
        %dma_wait3A = arith.constant 0 : i32
        %dma_wait3A_79 = arith.constant 0 : i32
        %dma_wait3A_80 = tpu.memref_slice %arg8[%rem3A_73, %dma_wait3A, %dma_wait3A_79] : memref<2x128x128xf32, #tpu.memory_space<vmem>> -> memref<1x128x128xf32, #tpu.memory_space<vmem>>
        %dma_wait3A_81 = tpu.memref_squeeze %dma_wait3A_80 : memref<1x128x128xf32, #tpu.memory_space<vmem>> -> memref<128x128xf32, #tpu.memory_space<vmem>>
        %dma_wait3A_82 = arith.constant 0 : i32
        %dma_wait3A_83 = tpu.memref_slice %arg6[%add3A_72, %dma_wait3A_82] : memref<16x128xi32, #tpu.memory_space<vmem>> -> memref<1x128xi32, #tpu.memory_space<vmem>>
        %dma_wait3A_84 = tpu.memref_squeeze %dma_wait3A_83 : memref<1x128xi32, #tpu.memory_space<vmem>> -> memref<128xi32, #tpu.memory_space<vmem>>
        %dma_wait3A_85 = arith.constant 0 : i32
        %dma_wait3A_86 = arith.constant 0 : i32
        %dma_wait3A_87 = tpu.memref_slice %arg2[%dma_wait3A_85, %dma_wait3A_86] : memref<10240x128xf32, #tpu.memory_space<hbm>> -> memref<10240x128xf32, #tpu.memory_space<hbm>>
        %dma_wait3A_88 = tpu.memref_slice %arg10[%rem3A_73] : memref<2x!tpu.dma_semaphore, #tpu.memory_space<semaphore_mem>> -> memref<1x!tpu.dma_semaphore, #tpu.memory_space<semaphore_mem>>
        %dma_wait3A_89 = tpu.memref_squeeze %dma_wait3A_88 : memref<1x!tpu.dma_semaphore, #tpu.memory_space<semaphore_mem>> -> memref<!tpu.dma_semaphore, #tpu.memory_space<semaphore_mem>>
        tpu.wait_indirect_dma semaphore(%dma_wait3A_89 : memref<!tpu.dma_semaphore, #tpu.memory_space<semaphore_mem>>) src(%dma_wait3A_87 : memref<10240x128xf32, #tpu.memory_space<hbm>>) dst(%dma_wait3A_81 : memref<128x128xf32, #tpu.memory_space<vmem>>)
        "tpu.region"() ({
          %run_scoped3A_90 = tpu.sem_alloc : memref<!tpu.dma_semaphore, #tpu.memory_space<semaphore_mem>>
          %dma_start3A_91 = arith.constant 0 : i32
          %dma_start3A_92 = arith.constant 0 : i32
          %dma_start3A_93 = tpu.memref_slice %arg8[%rem3A_73, %dma_start3A_91, %dma_start3A_92] : memref<2x128x128xf32, #tpu.memory_space<vmem>> -> memref<1x128x128xf32, #tpu.memory_space<vmem>>
          %dma_start3A_94 = tpu.memref_squeeze %dma_start3A_93 : memref<1x128x128xf32, #tpu.memory_space<vmem>> -> memref<128x128xf32, #tpu.memory_space<vmem>>
          %dma_start3A_95 = arith.constant 0 : i32
          %dma_start3A_96 = tpu.memref_slice %arg7[%add3A_72, %dma_start3A_95] : memref<16x128xi32, #tpu.memory_space<vmem>> -> memref<1x128xi32, #tpu.memory_space<vmem>>
          %dma_start3A_97 = tpu.memref_squeeze %dma_start3A_96 : memref<1x128xi32, #tpu.memory_space<vmem>> -> memref<128xi32, #tpu.memory_space<vmem>>
          %dma_start3A_98 = arith.constant 0 : i32
          %dma_start3A_99 = arith.constant 0 : i32
          %dma_start3A_100 = tpu.memref_slice %arg9[%dma_start3A_98, %dma_start3A_99] : memref<10240x128xf32, #tpu.memory_space<vmem_shared>> -> memref<10240x128xf32, #tpu.memory_space<vmem_shared>>
          tpu.enqueue_indirect_dma source(%dma_start3A_94 : memref<128x128xf32, #tpu.memory_space<vmem>>) target(%dma_start3A_100 : memref<10240x128xf32, #tpu.memory_space<vmem_shared>>) offsets(%dma_start3A_97 : memref<128xi32, #tpu.memory_space<vmem>>) semaphore(%run_scoped3A_90 : memref<!tpu.dma_semaphore, #tpu.memory_space<semaphore_mem>>) {add = true}
          %dma_wait3A_101 = arith.constant 0 : i32
          %dma_wait3A_102 = arith.constant 0 : i32
          %dma_wait3A_103 = tpu.memref_slice %arg8[%rem3A_73, %dma_wait3A_101, %dma_wait3A_102] : memref<2x128x128xf32, #tpu.memory_space<vmem>> -> memref<1x128x128xf32, #tpu.memory_space<vmem>>
          %dma_wait3A_104 = tpu.memref_squeeze %dma_wait3A_103 : memref<1x128x128xf32, #tpu.memory_space<vmem>> -> memref<128x128xf32, #tpu.memory_space<vmem>>
          %dma_wait3A_105 = arith.constant 0 : i32
          %dma_wait3A_106 = tpu.memref_slice %arg7[%add3A_72, %dma_wait3A_105] : memref<16x128xi32, #tpu.memory_space<vmem>> -> memref<1x128xi32, #tpu.memory_space<vmem>>
          %dma_wait3A_107 = tpu.memref_squeeze %dma_wait3A_106 : memref<1x128xi32, #tpu.memory_space<vmem>> -> memref<128xi32, #tpu.memory_space<vmem>>
          %dma_wait3A_108 = arith.constant 0 : i32
          %dma_wait3A_109 = arith.constant 0 : i32
          %dma_wait3A_110 = tpu.memref_slice %arg9[%dma_wait3A_108, %dma_wait3A_109] : memref<10240x128xf32, #tpu.memory_space<vmem_shared>> -> memref<10240x128xf32, #tpu.memory_space<vmem_shared>>
          tpu.wait_indirect_dma semaphore(%run_scoped3A_90 : memref<!tpu.dma_semaphore, #tpu.memory_space<semaphore_mem>>) src(%dma_wait3A_104 : memref<128x128xf32, #tpu.memory_space<vmem>>) dst(%dma_wait3A_110 : memref<10240x128xf32, #tpu.memory_space<vmem_shared>>)
          tpu.yield
        }) : () -> ()
      }
      %scan3A_67 = arith.constant 16 : i32
    }
    %scan3A_34 = arith.constant 5 : i32
    %barrier3A_35 = arith.constant 0 : index
    tpu.barrier barrier_id(%barrier3A_35)
    %mul3A_36 = arith.constant 640 : i32
    %mul3A_37 = arith.muli %arg1, %mul3A_36 : i32
    %mul3A_38 = arith.constant 640 : i32
    %mul3A_39 = arith.muli %arg1, %mul3A_38 : i32
    "tpu.region"() ({
      %run_scoped3A_40 = tpu.sem_alloc : memref<!tpu.dma_semaphore, #tpu.memory_space<semaphore_mem>>
      %dma_start3A = arith.constant 0 : i32
      %dma_start3A_41 = tpu.memref_slice %arg5[%arg0, %mul3A_39, %dma_start3A] : memref<2x10240x128xf32, #tpu.memory_space<hbm>> -> memref<1x640x128xf32, #tpu.memory_space<hbm>>
      %dma_start3A_42 = tpu.memref_squeeze %dma_start3A_41 : memref<1x640x128xf32, #tpu.memory_space<hbm>> -> memref<640x128xf32, #tpu.memory_space<hbm>>
      %dma_start3A_43 = arith.constant 0 : i32
      %dma_start3A_44 = tpu.memref_slice %arg9[%mul3A_37, %dma_start3A_43] : memref<10240x128xf32, #tpu.memory_space<vmem_shared>> -> memref<640x128xf32, #tpu.memory_space<vmem_shared>>
      tpu.enqueue_dma source(%dma_start3A_44 : memref<640x128xf32, #tpu.memory_space<vmem_shared>>) target(%dma_start3A_42 : memref<640x128xf32, #tpu.memory_space<hbm>>) target_semaphore(%run_scoped3A_40 : memref<!tpu.dma_semaphore, #tpu.memory_space<semaphore_mem>>)
      %dma_wait3A = arith.constant 0 : i32
      %dma_wait3A_45 = tpu.memref_slice %arg5[%arg0, %mul3A_39, %dma_wait3A] : memref<2x10240x128xf32, #tpu.memory_space<hbm>> -> memref<1x640x128xf32, #tpu.memory_space<hbm>>
      %dma_wait3A_46 = tpu.memref_squeeze %dma_wait3A_45 : memref<1x640x128xf32, #tpu.memory_space<hbm>> -> memref<640x128xf32, #tpu.memory_space<hbm>>
      %dma_wait3A_47 = arith.constant 0 : i32
      %dma_wait3A_48 = tpu.memref_slice %arg9[%mul3A_37, %dma_wait3A_47] : memref<10240x128xf32, #tpu.memory_space<vmem_shared>> -> memref<640x128xf32, #tpu.memory_space<vmem_shared>>
      tpu.wait_dma2 semaphore(%run_scoped3A_40 : memref<!tpu.dma_semaphore, #tpu.memory_space<semaphore_mem>>) src(%dma_wait3A_48 : memref<640x128xf32, #tpu.memory_space<vmem_shared>>) dst(%dma_wait3A_46 : memref<640x128xf32, #tpu.memory_space<hbm>>)
      tpu.yield
    }) : () -> ()
    return
  }
}

#map = affine_map<(d0, d1) -> (0, 0)>
#map1 = affine_map<(d0, d1) -> (0, 0, 0)>
module attributes {stable_mosaic.version = 14 : i64} {
  func.func @_sc_degrees(%arg0: i32, %arg1: i32, %arg2: memref<32x10000xi32, #tpu.memory_space<hbm>>, %arg3: memref<32x10000xi32, #tpu.memory_space<hbm>>, %arg4: memref<2x32x10240xf32, #tpu.memory_space<hbm>>, %arg5: memref<10000xi32, #tpu.memory_space<vmem>>, %arg6: memref<10240xf32, #tpu.memory_space<vmem>>) attributes {dimension_semantics = [#tpu.dimension_semantics<core_parallel>, #tpu.dimension_semantics<subcore_parallel>], iteration_bounds = array<i64: 2, 16>, scalar_prefetch = 0 : i64, scratch_operands = 2 : i64, tpu.core_type = #tpu.core_type<sc_vector_subcore>, window_params = [{transform_indices = #map}, {transform_indices = #map}, {transform_indices = #map1}]} {
    %mul3A = arith.constant 16 : i32
    %mul3A_0 = arith.muli %arg0, %mul3A : i32
    %add3A = arith.addi %mul3A_0, %arg1 : i32
    %broadcast_in_dim3A = arith.constant 0.000000e+00 : f32
    %broadcast_in_dim3A_1 = vector.broadcast %broadcast_in_dim3A : f32 to vector<16xf32>
    %broadcast_in_dim3A_2 = arith.constant 1.000000e+00 : f32
    %broadcast_in_dim3A_3 = vector.broadcast %broadcast_in_dim3A_2 : f32 to vector<16xf32>
    %scan3A = arith.constant 0 : i32
    %scan3A_4 = arith.constant 640 : i32
    %scan3A_5 = arith.addi %scan3A, %scan3A_4 : i32
    %scan3A_6 = arith.constant 1 : i32
    scf.for %scan3A_24 = %scan3A to %scan3A_5 step %scan3A_6  : i32 {
      %mul3A_25 = arith.constant 1 : i32
      %mul3A_26 = arith.muli %scan3A_24, %mul3A_25 : i32
      %add3A_27 = arith.constant 0 : i32
      %add3A_28 = arith.addi %add3A_27, %mul3A_26 : i32
      %mul3A_29 = arith.constant 16 : i32
      %mul3A_30 = arith.muli %add3A_28, %mul3A_29 : i32
      %swap3A = arith.index_cast %mul3A_30 : i32 to index
      %swap3A_31 = tpu.vector_load %arg6[%swap3A] {strides = array<i32>} : memref<10240xf32, #tpu.memory_space<vmem>>, vector<16xf32>,
      tpu.vector_store %arg6[%swap3A], %broadcast_in_dim3A_1 {strides = array<i32>} : memref<10240xf32, #tpu.memory_space<vmem>>, vector<16xf32>,
    }
    %scan3A_7 = arith.constant 640 : i32
    "tpu.region"() ({
      %run_scoped3A_24 = tpu.sem_alloc : memref<!tpu.dma_semaphore, #tpu.memory_space<semaphore_mem>>
      %dma_start3A = arith.constant 0 : i32
      %dma_start3A_25 = tpu.memref_slice %arg2[%add3A, %dma_start3A] : memref<32x10000xi32, #tpu.memory_space<hbm>> -> memref<1x10000xi32, #tpu.memory_space<hbm>>
      %dma_start3A_26 = tpu.memref_squeeze %dma_start3A_25 : memref<1x10000xi32, #tpu.memory_space<hbm>> -> memref<10000xi32, #tpu.memory_space<hbm>>
      %dma_start3A_27 = arith.constant 0 : i32
      %dma_start3A_28 = tpu.memref_slice %arg2[%add3A, %dma_start3A_27] : memref<32x10000xi32, #tpu.memory_space<hbm>> -> memref<1x10000xi32, #tpu.memory_space<hbm>>
      %dma_start3A_29 = tpu.memref_squeeze %dma_start3A_28 : memref<1x10000xi32, #tpu.memory_space<hbm>> -> memref<10000xi32, #tpu.memory_space<hbm>>
      tpu.enqueue_dma source(%dma_start3A_29 : memref<10000xi32, #tpu.memory_space<hbm>>) target(%arg5 : memref<10000xi32, #tpu.memory_space<vmem>>) target_semaphore(%run_scoped3A_24 : memref<!tpu.dma_semaphore, #tpu.memory_space<semaphore_mem>>)
      %dma_wait3A = arith.constant 0 : i32
      %dma_wait3A_30 = tpu.memref_slice %arg2[%add3A, %dma_wait3A] : memref<32x10000xi32, #tpu.memory_space<hbm>> -> memref<1x10000xi32, #tpu.memory_space<hbm>>
      %dma_wait3A_31 = tpu.memref_squeeze %dma_wait3A_30 : memref<1x10000xi32, #tpu.memory_space<hbm>> -> memref<10000xi32, #tpu.memory_space<hbm>>
      %dma_wait3A_32 = arith.constant 0 : i32
      %dma_wait3A_33 = tpu.memref_slice %arg2[%add3A, %dma_wait3A_32] : memref<32x10000xi32, #tpu.memory_space<hbm>> -> memref<1x10000xi32, #tpu.memory_space<hbm>>
      %dma_wait3A_34 = tpu.memref_squeeze %dma_wait3A_33 : memref<1x10000xi32, #tpu.memory_space<hbm>> -> memref<10000xi32, #tpu.memory_space<hbm>>
      tpu.wait_dma2 semaphore(%run_scoped3A_24 : memref<!tpu.dma_semaphore, #tpu.memory_space<semaphore_mem>>) src(%dma_wait3A_34 : memref<10000xi32, #tpu.memory_space<hbm>>) dst(%arg5 : memref<10000xi32, #tpu.memory_space<vmem>>)
      tpu.yield
    }) : () -> ()
    %scan3A_8 = arith.constant 0 : i32
    %scan3A_9 = arith.constant 625 : i32
    %scan3A_10 = arith.addi %scan3A_8, %scan3A_9 : i32
    %scan3A_11 = arith.constant 1 : i32
    scf.for %scan3A_24 = %scan3A_8 to %scan3A_10 step %scan3A_11  : i32 {
      %mul3A_25 = arith.constant 1 : i32
      %mul3A_26 = arith.muli %scan3A_24, %mul3A_25 : i32
      %add3A_27 = arith.constant 0 : i32
      %add3A_28 = arith.addi %add3A_27, %mul3A_26 : i32
      %mul3A_29 = arith.constant 16 : i32
      %mul3A_30 = arith.muli %add3A_28, %mul3A_29 : i32
      %get3A = arith.index_cast %mul3A_30 : i32 to index
      %get3A_31 = tpu.vector_load %arg5[%get3A] {strides = array<i32>} : memref<10000xi32, #tpu.memory_space<vmem>>, vector<16xi32>,
      tpu.vector_store_idx %arg6[%get3A_31], %broadcast_in_dim3A_3 {add = true} : memref<10240xf32, #tpu.memory_space<vmem>>[vector<16xi32>], vector<16xf32>,
    }
    %scan3A_12 = arith.constant 625 : i32
    %run_scoped3A = arith.constant 0 : i32
    "tpu.region"() ({
      %run_scoped3A_24 = tpu.sem_alloc : memref<!tpu.dma_semaphore, #tpu.memory_space<semaphore_mem>>
      %dma_start3A = arith.constant 0 : i32
      %dma_start3A_25 = tpu.memref_slice %arg4[%run_scoped3A, %add3A, %dma_start3A] : memref<2x32x10240xf32, #tpu.memory_space<hbm>> -> memref<1x1x10240xf32, #tpu.memory_space<hbm>>
      %dma_start3A_26 = tpu.memref_squeeze %dma_start3A_25 : memref<1x1x10240xf32, #tpu.memory_space<hbm>> -> memref<10240xf32, #tpu.memory_space<hbm>>
      %dma_start3A_27 = arith.constant 0 : i32
      %dma_start3A_28 = tpu.memref_slice %arg4[%run_scoped3A, %add3A, %dma_start3A_27] : memref<2x32x10240xf32, #tpu.memory_space<hbm>> -> memref<1x1x10240xf32, #tpu.memory_space<hbm>>
      %dma_start3A_29 = tpu.memref_squeeze %dma_start3A_28 : memref<1x1x10240xf32, #tpu.memory_space<hbm>> -> memref<10240xf32, #tpu.memory_space<hbm>>
      tpu.enqueue_dma source(%arg6 : memref<10240xf32, #tpu.memory_space<vmem>>) target(%dma_start3A_29 : memref<10240xf32, #tpu.memory_space<hbm>>) target_semaphore(%run_scoped3A_24 : memref<!tpu.dma_semaphore, #tpu.memory_space<semaphore_mem>>)
      %dma_wait3A = arith.constant 0 : i32
      %dma_wait3A_30 = tpu.memref_slice %arg4[%run_scoped3A, %add3A, %dma_wait3A] : memref<2x32x10240xf32, #tpu.memory_space<hbm>> -> memref<1x1x10240xf32, #tpu.memory_space<hbm>>
      %dma_wait3A_31 = tpu.memref_squeeze %dma_wait3A_30 : memref<1x1x10240xf32, #tpu.memory_space<hbm>> -> memref<10240xf32, #tpu.memory_space<hbm>>
      %dma_wait3A_32 = arith.constant 0 : i32
      %dma_wait3A_33 = tpu.memref_slice %arg4[%run_scoped3A, %add3A, %dma_wait3A_32] : memref<2x32x10240xf32, #tpu.memory_space<hbm>> -> memref<1x1x10240xf32, #tpu.memory_space<hbm>>
      %dma_wait3A_34 = tpu.memref_squeeze %dma_wait3A_33 : memref<1x1x10240xf32, #tpu.memory_space<hbm>> -> memref<10240xf32, #tpu.memory_space<hbm>>
      tpu.wait_dma2 semaphore(%run_scoped3A_24 : memref<!tpu.dma_semaphore, #tpu.memory_space<semaphore_mem>>) src(%arg6 : memref<10240xf32, #tpu.memory_space<vmem>>) dst(%dma_wait3A_34 : memref<10240xf32, #tpu.memory_space<hbm>>)
      tpu.yield
    }) : () -> ()
    %scan3A_13 = arith.constant 0 : i32
    %scan3A_14 = arith.constant 640 : i32
    %scan3A_15 = arith.addi %scan3A_13, %scan3A_14 : i32
    %scan3A_16 = arith.constant 1 : i32
    scf.for %scan3A_24 = %scan3A_13 to %scan3A_15 step %scan3A_16  : i32 {
      %mul3A_25 = arith.constant 1 : i32
      %mul3A_26 = arith.muli %scan3A_24, %mul3A_25 : i32
      %add3A_27 = arith.constant 0 : i32
      %add3A_28 = arith.addi %add3A_27, %mul3A_26 : i32
      %mul3A_29 = arith.constant 16 : i32
      %mul3A_30 = arith.muli %add3A_28, %mul3A_29 : i32
      %swap3A = arith.index_cast %mul3A_30 : i32 to index
      %swap3A_31 = tpu.vector_load %arg6[%swap3A] {strides = array<i32>} : memref<10240xf32, #tpu.memory_space<vmem>>, vector<16xf32>,
      tpu.vector_store %arg6[%swap3A], %broadcast_in_dim3A_1 {strides = array<i32>} : memref<10240xf32, #tpu.memory_space<vmem>>, vector<16xf32>,
    }
    %scan3A_17 = arith.constant 640 : i32
    "tpu.region"() ({
      %run_scoped3A_24 = tpu.sem_alloc : memref<!tpu.dma_semaphore, #tpu.memory_space<semaphore_mem>>
      %dma_start3A = arith.constant 0 : i32
      %dma_start3A_25 = tpu.memref_slice %arg3[%add3A, %dma_start3A] : memref<32x10000xi32, #tpu.memory_space<hbm>> -> memref<1x10000xi32, #tpu.memory_space<hbm>>
      %dma_start3A_26 = tpu.memref_squeeze %dma_start3A_25 : memref<1x10000xi32, #tpu.memory_space<hbm>> -> memref<10000xi32, #tpu.memory_space<hbm>>
      %dma_start3A_27 = arith.constant 0 : i32
      %dma_start3A_28 = tpu.memref_slice %arg3[%add3A, %dma_start3A_27] : memref<32x10000xi32, #tpu.memory_space<hbm>> -> memref<1x10000xi32, #tpu.memory_space<hbm>>
      %dma_start3A_29 = tpu.memref_squeeze %dma_start3A_28 : memref<1x10000xi32, #tpu.memory_space<hbm>> -> memref<10000xi32, #tpu.memory_space<hbm>>
      tpu.enqueue_dma source(%dma_start3A_29 : memref<10000xi32, #tpu.memory_space<hbm>>) target(%arg5 : memref<10000xi32, #tpu.memory_space<vmem>>) target_semaphore(%run_scoped3A_24 : memref<!tpu.dma_semaphore, #tpu.memory_space<semaphore_mem>>)
      %dma_wait3A = arith.constant 0 : i32
      %dma_wait3A_30 = tpu.memref_slice %arg3[%add3A, %dma_wait3A] : memref<32x10000xi32, #tpu.memory_space<hbm>> -> memref<1x10000xi32, #tpu.memory_space<hbm>>
      %dma_wait3A_31 = tpu.memref_squeeze %dma_wait3A_30 : memref<1x10000xi32, #tpu.memory_space<hbm>> -> memref<10000xi32, #tpu.memory_space<hbm>>
      %dma_wait3A_32 = arith.constant 0 : i32
      %dma_wait3A_33 = tpu.memref_slice %arg3[%add3A, %dma_wait3A_32] : memref<32x10000xi32, #tpu.memory_space<hbm>> -> memref<1x10000xi32, #tpu.memory_space<hbm>>
      %dma_wait3A_34 = tpu.memref_squeeze %dma_wait3A_33 : memref<1x10000xi32, #tpu.memory_space<hbm>> -> memref<10000xi32, #tpu.memory_space<hbm>>
      tpu.wait_dma2 semaphore(%run_scoped3A_24 : memref<!tpu.dma_semaphore, #tpu.memory_space<semaphore_mem>>) src(%dma_wait3A_34 : memref<10000xi32, #tpu.memory_space<hbm>>) dst(%arg5 : memref<10000xi32, #tpu.memory_space<vmem>>)
      tpu.yield
    }) : () -> ()
    %scan3A_18 = arith.constant 0 : i32
    %scan3A_19 = arith.constant 625 : i32
    %scan3A_20 = arith.addi %scan3A_18, %scan3A_19 : i32
    %scan3A_21 = arith.constant 1 : i32
    scf.for %scan3A_24 = %scan3A_18 to %scan3A_20 step %scan3A_21  : i32 {
      %mul3A_25 = arith.constant 1 : i32
      %mul3A_26 = arith.muli %scan3A_24, %mul3A_25 : i32
      %add3A_27 = arith.constant 0 : i32
      %add3A_28 = arith.addi %add3A_27, %mul3A_26 : i32
      %mul3A_29 = arith.constant 16 : i32
      %mul3A_30 = arith.muli %add3A_28, %mul3A_29 : i32
      %get3A = arith.index_cast %mul3A_30 : i32 to index
      %get3A_31 = tpu.vector_load %arg5[%get3A] {strides = array<i32>} : memref<10000xi32, #tpu.memory_space<vmem>>, vector<16xi32>,
      tpu.vector_store_idx %arg6[%get3A_31], %broadcast_in_dim3A_3 {add = true} : memref<10240xf32, #tpu.memory_space<vmem>>[vector<16xi32>], vector<16xf32>,
    }
    %scan3A_22 = arith.constant 625 : i32
    %run_scoped3A_23 = arith.constant 1 : i32
    "tpu.region"() ({
      %run_scoped3A_24 = tpu.sem_alloc : memref<!tpu.dma_semaphore, #tpu.memory_space<semaphore_mem>>
      %dma_start3A = arith.constant 0 : i32
      %dma_start3A_25 = tpu.memref_slice %arg4[%run_scoped3A_23, %add3A, %dma_start3A] : memref<2x32x10240xf32, #tpu.memory_space<hbm>> -> memref<1x1x10240xf32, #tpu.memory_space<hbm>>
      %dma_start3A_26 = tpu.memref_squeeze %dma_start3A_25 : memref<1x1x10240xf32, #tpu.memory_space<hbm>> -> memref<10240xf32, #tpu.memory_space<hbm>>
      %dma_start3A_27 = arith.constant 0 : i32
      %dma_start3A_28 = tpu.memref_slice %arg4[%run_scoped3A_23, %add3A, %dma_start3A_27] : memref<2x32x10240xf32, #tpu.memory_space<hbm>> -> memref<1x1x10240xf32, #tpu.memory_space<hbm>>
      %dma_start3A_29 = tpu.memref_squeeze %dma_start3A_28 : memref<1x1x10240xf32, #tpu.memory_space<hbm>> -> memref<10240xf32, #tpu.memory_space<hbm>>
      tpu.enqueue_dma source(%arg6 : memref<10240xf32, #tpu.memory_space<vmem>>) target(%dma_start3A_29 : memref<10240xf32, #tpu.memory_space<hbm>>) target_semaphore(%run_scoped3A_24 : memref<!tpu.dma_semaphore, #tpu.memory_space<semaphore_mem>>)
      %dma_wait3A = arith.constant 0 : i32
      %dma_wait3A_30 = tpu.memref_slice %arg4[%run_scoped3A_23, %add3A, %dma_wait3A] : memref<2x32x10240xf32, #tpu.memory_space<hbm>> -> memref<1x1x10240xf32, #tpu.memory_space<hbm>>
      %dma_wait3A_31 = tpu.memref_squeeze %dma_wait3A_30 : memref<1x1x10240xf32, #tpu.memory_space<hbm>> -> memref<10240xf32, #tpu.memory_space<hbm>>
      %dma_wait3A_32 = arith.constant 0 : i32
      %dma_wait3A_33 = tpu.memref_slice %arg4[%run_scoped3A_23, %add3A, %dma_wait3A_32] : memref<2x32x10240xf32, #tpu.memory_space<hbm>> -> memref<1x1x10240xf32, #tpu.memory_space<hbm>>
      %dma_wait3A_34 = tpu.memref_squeeze %dma_wait3A_33 : memref<1x1x10240xf32, #tpu.memory_space<hbm>> -> memref<10240xf32, #tpu.memory_space<hbm>>
      tpu.wait_dma2 semaphore(%run_scoped3A_24 : memref<!tpu.dma_semaphore, #tpu.memory_space<semaphore_mem>>) src(%arg6 : memref<10240xf32, #tpu.memory_space<vmem>>) dst(%dma_wait3A_34 : memref<10240xf32, #tpu.memory_space<hbm>>)
      tpu.yield
    }) : () -> ()
    return
  }
}

module attributes {stable_mosaic.version = 14 : i64} {
  func.func @_tc_norm_body(%arg0: memref<10000x128xf32, #tpu.memory_space<vmem>>, %arg1: memref<2x32x10240xf32, #tpu.memory_space<vmem>>, %arg2: memref<10240x128xf32, #tpu.memory_space<vmem>>, %arg3: memref<1x10240xf32, #tpu.memory_space<vmem>>) attributes {dimension_semantics = [], scalar_prefetch = 0 : i64, scratch_operands = 0 : i64, tpu.core_type = #tpu.core_type<tc>} {
    %get3A = arith.constant 0 : index
    %get3A_0 = arith.constant 0 : index
    %get3A_1 = arith.constant 0 : index
    %get3A_2 = vector.load %arg1[%get3A, %get3A_0, %get3A_1] : memref<2x32x10240xf32, #tpu.memory_space<vmem>>, vector<1x32x10240xf32>
    %get3A_3 = vector.shape_cast %get3A_2 : vector<1x32x10240xf32> to vector<32x10240xf32>
    %reduce_sum3A = arith.constant dense<0.000000e+00> : vector<10240xf32>
    %reduce_sum3A_4 = vector.multi_reduction <add>, %get3A_3, %reduce_sum3A [0] : vector<32x10240xf32> to vector<10240xf32>
    %get3A_5 = arith.constant 1 : index
    %get3A_6 = arith.constant 0 : index
    %get3A_7 = arith.constant 0 : index
    %get3A_8 = vector.load %arg1[%get3A_5, %get3A_6, %get3A_7] : memref<2x32x10240xf32, #tpu.memory_space<vmem>>, vector<1x32x10240xf32>
    %get3A_9 = vector.shape_cast %get3A_8 : vector<1x32x10240xf32> to vector<32x10240xf32>
    %reduce_sum3A_10 = arith.constant dense<0.000000e+00> : vector<10240xf32>
    %reduce_sum3A_11 = vector.multi_reduction <add>, %get3A_9, %reduce_sum3A_10 [0] : vector<32x10240xf32> to vector<10240xf32>
    %max3A = arith.constant 1.000000e+00 : f32
    %max3A_12 = vector.broadcast %max3A : f32 to vector<10240xf32>
    %max3A_13 = arith.maximumf %reduce_sum3A_4, %max3A_12 : vector<10240xf32>
    %rsqrt3A = math.rsqrt %max3A_13 : vector<10240xf32>
    %max3A_14 = arith.constant 1.000000e+00 : f32
    %max3A_15 = vector.broadcast %max3A_14 : f32 to vector<10240xf32>
    %max3A_16 = arith.maximumf %reduce_sum3A_11, %max3A_15 : vector<10240xf32>
    %rsqrt3A_17 = math.rsqrt %max3A_16 : vector<10240xf32>
    %reshape3A = vector.shape_cast %rsqrt3A_17 : vector<10240xf32> to vector<1x10240xf32>
    %swap3A = arith.constant 0 : index
    %swap3A_18 = arith.constant 0 : index
    %swap3A_19 = vector.load %arg3[%swap3A, %swap3A_18] : memref<1x10240xf32, #tpu.memory_space<vmem>>, vector<1x10240xf32>
    tpu.vector_store %arg3[%swap3A, %swap3A_18], %reshape3A {strides = array<i32>} : memref<1x10240xf32, #tpu.memory_space<vmem>>, vector<1x10240xf32>,
    %get3A_20 = arith.constant 0 : index
    %get3A_21 = arith.constant 0 : index
    %get3A_22 = vector.load %arg0[%get3A_20, %get3A_21] : memref<10000x128xf32, #tpu.memory_space<vmem>>, vector<10000x128xf32>
    %slice3A = vector.extract_strided_slice %rsqrt3A {offsets = [0], sizes = [10000], strides = [1]} : vector<10240xf32> to vector<10000xf32>
    %broadcast_in_dim3A = vector.shape_cast %slice3A : vector<10000xf32> to vector<10000x1xf32>
    %mul3A = vector.broadcast %broadcast_in_dim3A : vector<10000x1xf32> to vector<10000x128xf32>
    %mul3A_23 = arith.mulf %get3A_22, %mul3A : vector<10000x128xf32>
    %swap3A_24 = arith.constant 0 : index
    %swap3A_25 = arith.constant 0 : index
    %swap3A_26 = vector.load %arg2[%swap3A_24, %swap3A_25] : memref<10240x128xf32, #tpu.memory_space<vmem>>, vector<10000x128xf32>
    tpu.vector_store %arg2[%swap3A_24, %swap3A_25], %mul3A_23 {strides = array<i32>} : memref<10240x128xf32, #tpu.memory_space<vmem>>, vector<10000x128xf32>,
    return
  }
}

module attributes {stable_mosaic.version = 14 : i64} {
  func.func @_tc_main_body(%arg0: memref<2x10240x128xf32, #tpu.memory_space<vmem>>, %arg1: memref<1x10240xf32, #tpu.memory_space<vmem>>, %arg2: memref<16x256xi32, #tpu.memory_space<smem>>, %arg3: memref<128x128xf32, #tpu.memory_space<vmem>>, %arg4: memref<1x128xf32, #tpu.memory_space<vmem>>, %arg5: memref<128x128xf32, #tpu.memory_space<vmem>>, %arg6: memref<1x128xf32, #tpu.memory_space<vmem>>, %arg7: memref<512x128xf32, #tpu.memory_space<vmem>>, %arg8: memref<512x128xf32, #tpu.memory_space<vmem>>, %arg9: memref<1x512xf32, #tpu.memory_space<vmem>>, %arg10: memref<1x512xf32, #tpu.memory_space<vmem>>, %arg11: memref<128x128xf32, #tpu.memory_space<vmem>>, %arg12: memref<1x128xf32, #tpu.memory_space<vmem>>, %arg13: memref<10000x128xf32, #tpu.memory_space<vmem>>, %arg14: memref<10000x128xf32, #tpu.memory_space<vmem>>, %arg15: memref<256x128xf32, #tpu.memory_space<vmem>>, %arg16: memref<256x512xf32, #tpu.memory_space<vmem>>, %arg17: memref<128x512xf32, #tpu.memory_space<vmem>>) attributes {dimension_semantics = [], scalar_prefetch = 0 : i64, scratch_operands = 4 : i64, tpu.core_type = #tpu.core_type<tc>} {
    %get3A = arith.constant 0 : index
    %get3A_0 = arith.constant 0 : index
    %get3A_1 = arith.constant 0 : index
    %get3A_2 = vector.load %arg0[%get3A, %get3A_0, %get3A_1] : memref<2x10240x128xf32, #tpu.memory_space<vmem>>, vector<1x10000x128xf32>
    %get3A_3 = vector.shape_cast %get3A_2 : vector<1x10000x128xf32> to vector<10000x128xf32>
    %get3A_4 = arith.constant 1 : index
    %get3A_5 = arith.constant 0 : index
    %get3A_6 = arith.constant 0 : index
    %get3A_7 = vector.load %arg0[%get3A_4, %get3A_5, %get3A_6] : memref<2x10240x128xf32, #tpu.memory_space<vmem>>, vector<1x10000x128xf32>
    %get3A_8 = vector.shape_cast %get3A_7 : vector<1x10000x128xf32> to vector<10000x128xf32>
    %add3A = arith.addf %get3A_3, %get3A_8 : vector<10000x128xf32>
    %get3A_9 = arith.constant 0 : index
    %get3A_10 = arith.constant 0 : index
    %get3A_11 = vector.load %arg1[%get3A_9, %get3A_10] : memref<1x10240xf32, #tpu.memory_space<vmem>>, vector<1x10000xf32>
    %get3A_12 = vector.shape_cast %get3A_11 : vector<1x10000xf32> to vector<10000xf32>
    %broadcast_in_dim3A = vector.shape_cast %get3A_12 : vector<10000xf32> to vector<10000x1xf32>
    %mul3A = vector.broadcast %broadcast_in_dim3A : vector<10000x1xf32> to vector<10000x128xf32>
    %mul3A_13 = arith.mulf %add3A, %mul3A : vector<10000x128xf32>
    %get3A_14 = arith.constant 0 : index
    %get3A_15 = arith.constant 0 : index
    %get3A_16 = vector.load %arg3[%get3A_14, %get3A_15] : memref<128x128xf32, #tpu.memory_space<vmem>>, vector<128x128xf32>
    %dot_general3A = arith.constant dense<0.000000e+00> : vector<10000x128xf32>
    %dot_general3A_17 = tpu.matmul %mul3A_13, %get3A_16, %dot_general3A {dimension_numbers = #tpu.dot_dimension_numbers<[1], [0], [0], [1], [0, 0, 1, 1], [], []>, transpose_lhs_hint = false} : vector<10000x128xf32>, vector<128x128xf32>, vector<10000x128xf32> -> vector<10000x128xf32>
    %get3A_18 = arith.constant 0 : index
    %get3A_19 = arith.constant 0 : index
    %get3A_20 = vector.load %arg4[%get3A_18, %get3A_19] : memref<1x128xf32, #tpu.memory_space<vmem>>, vector<1x128xf32>
    %add3A_21 = vector.broadcast %get3A_20 : vector<1x128xf32> to vector<10000x128xf32>
    %add3A_22 = arith.addf %dot_general3A_17, %add3A_21 : vector<10000x128xf32>
    %get3A_23 = arith.constant 0 : index
    %get3A_24 = arith.constant 0 : index
    %get3A_25 = vector.load %arg5[%get3A_23, %get3A_24] : memref<128x128xf32, #tpu.memory_space<vmem>>, vector<128x128xf32>
    %dot_general3A_26 = arith.constant dense<0.000000e+00> : vector<10000x128xf32>
    %dot_general3A_27 = tpu.matmul %add3A_22, %get3A_25, %dot_general3A_26 {dimension_numbers = #tpu.dot_dimension_numbers<[1], [0], [0], [1], [0, 0, 1, 1], [], []>, transpose_lhs_hint = false} : vector<10000x128xf32>, vector<128x128xf32>, vector<10000x128xf32> -> vector<10000x128xf32>
    %get3A_28 = arith.constant 0 : index
    %get3A_29 = arith.constant 0 : index
    %get3A_30 = vector.load %arg6[%get3A_28, %get3A_29] : memref<1x128xf32, #tpu.memory_space<vmem>>, vector<1x128xf32>
    %add3A_31 = vector.broadcast %get3A_30 : vector<1x128xf32> to vector<10000x128xf32>
    %add3A_32 = arith.addf %dot_general3A_27, %add3A_31 : vector<10000x128xf32>
    %swap3A = arith.constant 0 : index
    %swap3A_33 = arith.constant 0 : index
    %swap3A_34 = vector.load %arg14[%swap3A, %swap3A_33] : memref<10000x128xf32, #tpu.memory_space<vmem>>, vector<10000x128xf32>
    tpu.vector_store %arg14[%swap3A, %swap3A_33], %add3A_32 {strides = array<i32>} : memref<10000x128xf32, #tpu.memory_space<vmem>>, vector<10000x128xf32>,
    %get3A_35 = arith.constant 0 : index
    %get3A_36 = arith.constant 0 : index
    %get3A_37 = vector.load %arg8[%get3A_35, %get3A_36] : memref<512x128xf32, #tpu.memory_space<vmem>>, vector<512x128xf32>
    %transpose3A = tpu.transpose %get3A_37, [1, 0] : vector<512x128xf32> -> vector<128x512xf32>
    %swap3A_38 = arith.constant 0 : index
    %swap3A_39 = arith.constant 0 : index
    %swap3A_40 = vector.load %arg17[%swap3A_38, %swap3A_39] : memref<128x512xf32, #tpu.memory_space<vmem>>, vector<128x512xf32>
    tpu.vector_store %arg17[%swap3A_38, %swap3A_39], %transpose3A {strides = array<i32>} : memref<128x512xf32, #tpu.memory_space<vmem>>, vector<128x512xf32>,
    %get3A_41 = arith.constant 0 : index
    %get3A_42 = arith.constant 0 : index
    %get3A_43 = vector.load %arg17[%get3A_41, %get3A_42] : memref<128x512xf32, #tpu.memory_space<vmem>>, vector<128x512xf32>
    %get3A_44 = arith.constant 0 : index
    %get3A_45 = arith.constant 0 : index
    %get3A_46 = vector.load %arg9[%get3A_44, %get3A_45] : memref<1x512xf32, #tpu.memory_space<vmem>>, vector<1x512xf32>
    %get3A_47 = arith.constant 0 : index
    %get3A_48 = arith.constant 0 : index
    %get3A_49 = vector.load %arg10[%get3A_47, %get3A_48] : memref<1x512xf32, #tpu.memory_space<vmem>>, vector<1x512xf32>
    %add3A_50 = arith.addf %get3A_46, %get3A_49 : vector<1x512xf32>
    %scan3A = arith.constant 0 : i32
    %scan3A_51 = arith.constant 16 : i32
    %scan3A_52 = arith.addi %scan3A, %scan3A_51 : i32
    %scan3A_53 = arith.constant 1 : i32
    scf.for %scan3A_71 = %scan3A to %scan3A_52 step %scan3A_53  : i32 {
      %scan3A_72 = arith.constant 0 : i32
      %scan3A_73 = arith.constant 64 : i32
      %scan3A_74 = arith.addi %scan3A_72, %scan3A_73 : i32
      %scan3A_75 = arith.constant 1 : i32
      scf.for %scan3A_98 = %scan3A_72 to %scan3A_74 step %scan3A_75  : i32 {
        %mul3A_99 = arith.constant 4 : i32
        %mul3A_100 = arith.muli %scan3A_98, %mul3A_99 : i32
        %multiple_of3A = tpu.assume_multiple %mul3A_100, 4 : i32
        %add3A_101 = arith.constant 0 : i32
        %add3A_102 = arith.addi %multiple_of3A, %add3A_101 : i32
        %get3A_103 = arith.index_cast %scan3A_71 : i32 to index
        %get3A_104 = arith.index_cast %add3A_102 : i32 to index
        %get3A_105 = memref.load %arg2[%get3A_103, %get3A_104] : memref<16x256xi32, #tpu.memory_space<smem>>
        %get3A_106 = arith.index_cast %get3A_105 : i32 to index
        %get3A_107 = arith.constant 0 : index
        %get3A_108 = vector.load %arg14[%get3A_106, %get3A_107] : memref<10000x128xf32, #tpu.memory_space<vmem>>, vector<1x128xf32>
        %swap3A_109 = arith.index_cast %add3A_102 : i32 to index
        %swap3A_110 = arith.constant 0 : index
        %swap3A_111 = vector.load %arg15[%swap3A_109, %swap3A_110] : memref<256x128xf32, #tpu.memory_space<vmem>>, vector<1x128xf32>
        tpu.vector_store %arg15[%swap3A_109, %swap3A_110], %get3A_108 {strides = array<i32>} : memref<256x128xf32, #tpu.memory_space<vmem>>, vector<1x128xf32>,
        %add3A_112 = arith.constant 1 : i32
        %add3A_113 = arith.addi %multiple_of3A, %add3A_112 : i32
        %get3A_114 = arith.index_cast %scan3A_71 : i32 to index
        %get3A_115 = arith.index_cast %add3A_113 : i32 to index
        %get3A_116 = memref.load %arg2[%get3A_114, %get3A_115] : memref<16x256xi32, #tpu.memory_space<smem>>
        %get3A_117 = arith.index_cast %get3A_116 : i32 to index
        %get3A_118 = arith.constant 0 : index
        %get3A_119 = vector.load %arg14[%get3A_117, %get3A_118] : memref<10000x128xf32, #tpu.memory_space<vmem>>, vector<1x128xf32>
        %swap3A_120 = arith.index_cast %add3A_113 : i32 to index
        %swap3A_121 = arith.constant 0 : index
        %swap3A_122 = vector.load %arg15[%swap3A_120, %swap3A_121] : memref<256x128xf32, #tpu.memory_space<vmem>>, vector<1x128xf32>
        tpu.vector_store %arg15[%swap3A_120, %swap3A_121], %get3A_119 {strides = array<i32>} : memref<256x128xf32, #tpu.memory_space<vmem>>, vector<1x128xf32>,
        %add3A_123 = arith.constant 2 : i32
        %add3A_124 = arith.addi %multiple_of3A, %add3A_123 : i32
        %get3A_125 = arith.index_cast %scan3A_71 : i32 to index
        %get3A_126 = arith.index_cast %add3A_124 : i32 to index
        %get3A_127 = memref.load %arg2[%get3A_125, %get3A_126] : memref<16x256xi32, #tpu.memory_space<smem>>
        %get3A_128 = arith.index_cast %get3A_127 : i32 to index
        %get3A_129 = arith.constant 0 : index
        %get3A_130 = vector.load %arg14[%get3A_128, %get3A_129] : memref<10000x128xf32, #tpu.memory_space<vmem>>, vector<1x128xf32>
        %swap3A_131 = arith.index_cast %add3A_124 : i32 to index
        %swap3A_132 = arith.constant 0 : index
        %swap3A_133 = vector.load %arg15[%swap3A_131, %swap3A_132] : memref<256x128xf32, #tpu.memory_space<vmem>>, vector<1x128xf32>
        tpu.vector_store %arg15[%swap3A_131, %swap3A_132], %get3A_130 {strides = array<i32>} : memref<256x128xf32, #tpu.memory_space<vmem>>, vector<1x128xf32>,
        %add3A_134 = arith.constant 3 : i32
        %add3A_135 = arith.addi %multiple_of3A, %add3A_134 : i32
        %get3A_136 = arith.index_cast %scan3A_71 : i32 to index
        %get3A_137 = arith.index_cast %add3A_135 : i32 to index
        %get3A_138 = memref.load %arg2[%get3A_136, %get3A_137] : memref<16x256xi32, #tpu.memory_space<smem>>
        %get3A_139 = arith.index_cast %get3A_138 : i32 to index
        %get3A_140 = arith.constant 0 : index
        %get3A_141 = vector.load %arg14[%get3A_139, %get3A_140] : memref<10000x128xf32, #tpu.memory_space<vmem>>, vector<1x128xf32>
        %swap3A_142 = arith.index_cast %add3A_135 : i32 to index
        %swap3A_143 = arith.constant 0 : index
        %swap3A_144 = vector.load %arg15[%swap3A_142, %swap3A_143] : memref<256x128xf32, #tpu.memory_space<vmem>>, vector<1x128xf32>
        tpu.vector_store %arg15[%swap3A_142, %swap3A_143], %get3A_141 {strides = array<i32>} : memref<256x128xf32, #tpu.memory_space<vmem>>, vector<1x128xf32>,
      }
      %scan3A_76 = arith.constant 64 : i32
      %get3A_77 = arith.constant 0 : index
      %get3A_78 = arith.constant 0 : index
      %get3A_79 = vector.load %arg15[%get3A_77, %get3A_78] : memref<256x128xf32, #tpu.memory_space<vmem>>, vector<256x128xf32>
      %get3A_80 = arith.constant 0 : index
      %get3A_81 = arith.constant 0 : index
      %get3A_82 = vector.load %arg7[%get3A_80, %get3A_81] : memref<512x128xf32, #tpu.memory_space<vmem>>, vector<512x128xf32>
      %dot_general3A_83 = arith.constant dense<0.000000e+00> : vector<256x512xf32>
      %dot_general3A_84 = tpu.matmul %get3A_79, %get3A_82, %dot_general3A_83 {dimension_numbers = #tpu.dot_dimension_numbers<[1], [1], [0], [0], [0, 0, 1, 0], [], []>, transpose_lhs_hint = false} : vector<256x128xf32>, vector<512x128xf32>, vector<256x512xf32> -> vector<256x512xf32>
      %add3A_85 = vector.broadcast %add3A_50 : vector<1x512xf32> to vector<256x512xf32>
      %add3A_86 = arith.addf %dot_general3A_84, %add3A_85 : vector<256x512xf32>
      %swap3A_87 = arith.constant 0 : index
      %swap3A_88 = arith.constant 0 : index
      %swap3A_89 = vector.load %arg16[%swap3A_87, %swap3A_88] : memref<256x512xf32, #tpu.memory_space<vmem>>, vector<256x512xf32>
      tpu.vector_store %arg16[%swap3A_87, %swap3A_88], %add3A_86 {strides = array<i32>} : memref<256x512xf32, #tpu.memory_space<vmem>>, vector<256x512xf32>,
      %broadcast_in_dim3A_90 = arith.constant 0.000000e+00 : f32
      %broadcast_in_dim3A_91 = vector.broadcast %broadcast_in_dim3A_90 : f32 to vector<1x128xf32>
      %scan3A_92 = arith.constant 0 : i32
      %scan3A_93 = arith.constant 32 : i32
      %scan3A_94 = arith.addi %scan3A_92, %scan3A_93 : i32
      %scan3A_95 = arith.constant 1 : i32
      %scan3A_96:2 = scf.for %scan3A_98 = %scan3A_92 to %scan3A_94 step %scan3A_95 iter_args(%scan3A_99 = %broadcast_in_dim3A_91, %scan3A_100 = %broadcast_in_dim3A_91) -> (vector<1x128xf32>, vector<1x128xf32>)  : i32 {
        %mul3A_101 = arith.constant 8 : i32
        %mul3A_102 = arith.muli %scan3A_98, %mul3A_101 : i32
        %multiple_of3A = tpu.assume_multiple %mul3A_102, 8 : i32
        %add3A_103 = arith.constant 0 : i32
        %add3A_104 = arith.addi %multiple_of3A, %add3A_103 : i32
        %reshape3A = vector.shape_cast %scan3A_99 : vector<1x128xf32> to vector<128x1xf32>
        %get3A_105 = arith.index_cast %add3A_104 : i32 to index
        %get3A_106 = arith.constant 0 : index
        %get3A_107 = vector.load %arg16[%get3A_105, %get3A_106] : memref<256x512xf32, #tpu.memory_space<vmem>>, vector<1x512xf32>
        %mul3A_108 = vector.broadcast %reshape3A : vector<128x1xf32> to vector<128x512xf32>
        %mul3A_109 = arith.mulf %mul3A_108, %get3A_43 : vector<128x512xf32>
        %reduce_sum3A = arith.constant dense<0.000000e+00> : vector<512xf32>
        %reduce_sum3A_110 = vector.multi_reduction <add>, %mul3A_109, %reduce_sum3A [0] : vector<128x512xf32> to vector<512xf32>
        %broadcast_in_dim3A_111 = vector.shape_cast %reduce_sum3A_110 : vector<512xf32> to vector<1x512xf32>
        %add3A_112 = arith.addf %get3A_107, %broadcast_in_dim3A_111 : vector<1x512xf32>
        %slice3A = vector.extract_strided_slice %add3A_112 {offsets = [0, 0], sizes = [1, 128], strides = [1, 1]} : vector<1x512xf32> to vector<1x128xf32>
        %mul3A_113 = arith.constant 5.000000e-01 : f32
        %mul3A_114 = vector.broadcast %mul3A_113 : f32 to vector<1x128xf32>
        %mul3A_115 = arith.mulf %mul3A_114, %slice3A : vector<1x128xf32>
        %tanh3A = math.tanh %mul3A_115 : vector<1x128xf32>
        %mul3A_116 = arith.constant 5.000000e-01 : f32
        %mul3A_117 = vector.broadcast %mul3A_116 : f32 to vector<1x128xf32>
        %mul3A_118 = arith.mulf %mul3A_117, %tanh3A : vector<1x128xf32>
        %add3A_119 = arith.constant 5.000000e-01 : f32
        %add3A_120 = vector.broadcast %add3A_119 : f32 to vector<1x128xf32>
        %add3A_121 = arith.addf %add3A_120, %mul3A_118 : vector<1x128xf32>
        %slice3A_122 = vector.extract_strided_slice %add3A_112 {offsets = [0, 128], sizes = [1, 128], strides = [1, 1]} : vector<1x512xf32> to vector<1x128xf32>
        %mul3A_123 = arith.constant 5.000000e-01 : f32
        %mul3A_124 = vector.broadcast %mul3A_123 : f32 to vector<1x128xf32>
        %mul3A_125 = arith.mulf %mul3A_124, %slice3A_122 : vector<1x128xf32>
        %tanh3A_126 = math.tanh %mul3A_125 : vector<1x128xf32>
        %mul3A_127 = arith.constant 5.000000e-01 : f32
        %mul3A_128 = vector.broadcast %mul3A_127 : f32 to vector<1x128xf32>
        %mul3A_129 = arith.mulf %mul3A_128, %tanh3A_126 : vector<1x128xf32>
        %add3A_130 = arith.constant 5.000000e-01 : f32
        %add3A_131 = vector.broadcast %add3A_130 : f32 to vector<1x128xf32>
        %add3A_132 = arith.addf %add3A_131, %mul3A_129 : vector<1x128xf32>
        %slice3A_133 = vector.extract_strided_slice %add3A_112 {offsets = [0, 256], sizes = [1, 128], strides = [1, 1]} : vector<1x512xf32> to vector<1x128xf32>
        %tanh3A_134 = math.tanh %slice3A_133 : vector<1x128xf32>
        %slice3A_135 = vector.extract_strided_slice %add3A_112 {offsets = [0, 384], sizes = [1, 128], strides = [1, 1]} : vector<1x512xf32> to vector<1x128xf32>
        %mul3A_136 = arith.constant 5.000000e-01 : f32
        %mul3A_137 = vector.broadcast %mul3A_136 : f32 to vector<1x128xf32>
        %mul3A_138 = arith.mulf %mul3A_137, %slice3A_135 : vector<1x128xf32>
        %tanh3A_139 = math.tanh %mul3A_138 : vector<1x128xf32>
        %mul3A_140 = arith.constant 5.000000e-01 : f32
        %mul3A_141 = vector.broadcast %mul3A_140 : f32 to vector<1x128xf32>
        %mul3A_142 = arith.mulf %mul3A_141, %tanh3A_139 : vector<1x128xf32>
        %add3A_143 = arith.constant 5.000000e-01 : f32
        %add3A_144 = vector.broadcast %add3A_143 : f32 to vector<1x128xf32>
        %add3A_145 = arith.addf %add3A_144, %mul3A_142 : vector<1x128xf32>
        %mul3A_146 = arith.mulf %add3A_132, %scan3A_100 : vector<1x128xf32>
        %mul3A_147 = arith.mulf %add3A_121, %tanh3A_134 : vector<1x128xf32>
        %add3A_148 = arith.addf %mul3A_146, %mul3A_147 : vector<1x128xf32>
        %tanh3A_149 = math.tanh %add3A_148 : vector<1x128xf32>
        %mul3A_150 = arith.mulf %add3A_145, %tanh3A_149 : vector<1x128xf32>
        %get3A_151 = arith.index_cast %scan3A_71 : i32 to index
        %get3A_152 = arith.index_cast %add3A_104 : i32 to index
        %get3A_153 = memref.load %arg2[%get3A_151, %get3A_152] : memref<16x256xi32, #tpu.memory_space<smem>>
        %swap3A_154 = arith.index_cast %get3A_153 : i32 to index
        %swap3A_155 = arith.constant 0 : index
        %swap3A_156 = vector.load %arg14[%swap3A_154, %swap3A_155] : memref<10000x128xf32, #tpu.memory_space<vmem>>, vector<1x128xf32>
        tpu.vector_store %arg14[%swap3A_154, %swap3A_155], %mul3A_150 {strides = array<i32>} : memref<10000x128xf32, #tpu.memory_space<vmem>>, vector<1x128xf32>,
        %add3A_157 = arith.constant 1 : i32
        %add3A_158 = arith.addi %multiple_of3A, %add3A_157 : i32
        %reshape3A_159 = vector.shape_cast %mul3A_150 : vector<1x128xf32> to vector<128x1xf32>
        %get3A_160 = arith.index_cast %add3A_158 : i32 to index
        %get3A_161 = arith.constant 0 : index
        %get3A_162 = vector.load %arg16[%get3A_160, %get3A_161] : memref<256x512xf32, #tpu.memory_space<vmem>>, vector<1x512xf32>
        %mul3A_163 = vector.broadcast %reshape3A_159 : vector<128x1xf32> to vector<128x512xf32>
        %mul3A_164 = arith.mulf %mul3A_163, %get3A_43 : vector<128x512xf32>
        %reduce_sum3A_165 = arith.constant dense<0.000000e+00> : vector<512xf32>
        %reduce_sum3A_166 = vector.multi_reduction <add>, %mul3A_164, %reduce_sum3A_165 [0] : vector<128x512xf32> to vector<512xf32>
        %broadcast_in_dim3A_167 = vector.shape_cast %reduce_sum3A_166 : vector<512xf32> to vector<1x512xf32>
        %add3A_168 = arith.addf %get3A_162, %broadcast_in_dim3A_167 : vector<1x512xf32>
        %slice3A_169 = vector.extract_strided_slice %add3A_168 {offsets = [0, 0], sizes = [1, 128], strides = [1, 1]} : vector<1x512xf32> to vector<1x128xf32>
        %mul3A_170 = arith.constant 5.000000e-01 : f32
        %mul3A_171 = vector.broadcast %mul3A_170 : f32 to vector<1x128xf32>
        %mul3A_172 = arith.mulf %mul3A_171, %slice3A_169 : vector<1x128xf32>
        %tanh3A_173 = math.tanh %mul3A_172 : vector<1x128xf32>
        %mul3A_174 = arith.constant 5.000000e-01 : f32
        %mul3A_175 = vector.broadcast %mul3A_174 : f32 to vector<1x128xf32>
        %mul3A_176 = arith.mulf %mul3A_175, %tanh3A_173 : vector<1x128xf32>
        %add3A_177 = arith.constant 5.000000e-01 : f32
        %add3A_178 = vector.broadcast %add3A_177 : f32 to vector<1x128xf32>
        %add3A_179 = arith.addf %add3A_178, %mul3A_176 : vector<1x128xf32>
        %slice3A_180 = vector.extract_strided_slice %add3A_168 {offsets = [0, 128], sizes = [1, 128], strides = [1, 1]} : vector<1x512xf32> to vector<1x128xf32>
        %mul3A_181 = arith.constant 5.000000e-01 : f32
        %mul3A_182 = vector.broadcast %mul3A_181 : f32 to vector<1x128xf32>
        %mul3A_183 = arith.mulf %mul3A_182, %slice3A_180 : vector<1x128xf32>
        %tanh3A_184 = math.tanh %mul3A_183 : vector<1x128xf32>
        %mul3A_185 = arith.constant 5.000000e-01 : f32
        %mul3A_186 = vector.broadcast %mul3A_185 : f32 to vector<1x128xf32>
        %mul3A_187 = arith.mulf %mul3A_186, %tanh3A_184 : vector<1x128xf32>
        %add3A_188 = arith.constant 5.000000e-01 : f32
        %add3A_189 = vector.broadcast %add3A_188 : f32 to vector<1x128xf32>
        %add3A_190 = arith.addf %add3A_189, %mul3A_187 : vector<1x128xf32>
        %slice3A_191 = vector.extract_strided_slice %add3A_168 {offsets = [0, 256], sizes = [1, 128], strides = [1, 1]} : vector<1x512xf32> to vector<1x128xf32>
        %tanh3A_192 = math.tanh %slice3A_191 : vector<1x128xf32>
        %slice3A_193 = vector.extract_strided_slice %add3A_168 {offsets = [0, 384], sizes = [1, 128], strides = [1, 1]} : vector<1x512xf32> to vector<1x128xf32>
        %mul3A_194 = arith.constant 5.000000e-01 : f32
        %mul3A_195 = vector.broadcast %mul3A_194 : f32 to vector<1x128xf32>
        %mul3A_196 = arith.mulf %mul3A_195, %slice3A_193 : vector<1x128xf32>
        %tanh3A_197 = math.tanh %mul3A_196 : vector<1x128xf32>
        %mul3A_198 = arith.constant 5.000000e-01 : f32
        %mul3A_199 = vector.broadcast %mul3A_198 : f32 to vector<1x128xf32>
        %mul3A_200 = arith.mulf %mul3A_199, %tanh3A_197 : vector<1x128xf32>
        %add3A_201 = arith.constant 5.000000e-01 : f32
        %add3A_202 = vector.broadcast %add3A_201 : f32 to vector<1x128xf32>
        %add3A_203 = arith.addf %add3A_202, %mul3A_200 : vector<1x128xf32>
        %mul3A_204 = arith.mulf %add3A_190, %add3A_148 : vector<1x128xf32>
        %mul3A_205 = arith.mulf %add3A_179, %tanh3A_192 : vector<1x128xf32>
        %add3A_206 = arith.addf %mul3A_204, %mul3A_205 : vector<1x128xf32>
        %tanh3A_207 = math.tanh %add3A_206 : vector<1x128xf32>
        %mul3A_208 = arith.mulf %add3A_203, %tanh3A_207 : vector<1x128xf32>
        %get3A_209 = arith.index_cast %scan3A_71 : i32 to index
        %get3A_210 = arith.index_cast %add3A_158 : i32 to index
        %get3A_211 = memref.load %arg2[%get3A_209, %get3A_210] : memref<16x256xi32, #tpu.memory_space<smem>>
        %swap3A_212 = arith.index_cast %get3A_211 : i32 to index
        %swap3A_213 = arith.constant 0 : index
        %swap3A_214 = vector.load %arg14[%swap3A_212, %swap3A_213] : memref<10000x128xf32, #tpu.memory_space<vmem>>, vector<1x128xf32>
        tpu.vector_store %arg14[%swap3A_212, %swap3A_213], %mul3A_208 {strides = array<i32>} : memref<10000x128xf32, #tpu.memory_space<vmem>>, vector<1x128xf32>,
        %add3A_215 = arith.constant 2 : i32
        %add3A_216 = arith.addi %multiple_of3A, %add3A_215 : i32
        %reshape3A_217 = vector.shape_cast %mul3A_208 : vector<1x128xf32> to vector<128x1xf32>
        %get3A_218 = arith.index_cast %add3A_216 : i32 to index
        %get3A_219 = arith.constant 0 : index
        %get3A_220 = vector.load %arg16[%get3A_218, %get3A_219] : memref<256x512xf32, #tpu.memory_space<vmem>>, vector<1x512xf32>
        %mul3A_221 = vector.broadcast %reshape3A_217 : vector<128x1xf32> to vector<128x512xf32>
        %mul3A_222 = arith.mulf %mul3A_221, %get3A_43 : vector<128x512xf32>
        %reduce_sum3A_223 = arith.constant dense<0.000000e+00> : vector<512xf32>
        %reduce_sum3A_224 = vector.multi_reduction <add>, %mul3A_222, %reduce_sum3A_223 [0] : vector<128x512xf32> to vector<512xf32>
        %broadcast_in_dim3A_225 = vector.shape_cast %reduce_sum3A_224 : vector<512xf32> to vector<1x512xf32>
        %add3A_226 = arith.addf %get3A_220, %broadcast_in_dim3A_225 : vector<1x512xf32>
        %slice3A_227 = vector.extract_strided_slice %add3A_226 {offsets = [0, 0], sizes = [1, 128], strides = [1, 1]} : vector<1x512xf32> to vector<1x128xf32>
        %mul3A_228 = arith.constant 5.000000e-01 : f32
        %mul3A_229 = vector.broadcast %mul3A_228 : f32 to vector<1x128xf32>
        %mul3A_230 = arith.mulf %mul3A_229, %slice3A_227 : vector<1x128xf32>
        %tanh3A_231 = math.tanh %mul3A_230 : vector<1x128xf32>
        %mul3A_232 = arith.constant 5.000000e-01 : f32
        %mul3A_233 = vector.broadcast %mul3A_232 : f32 to vector<1x128xf32>
        %mul3A_234 = arith.mulf %mul3A_233, %tanh3A_231 : vector<1x128xf32>
        %add3A_235 = arith.constant 5.000000e-01 : f32
        %add3A_236 = vector.broadcast %add3A_235 : f32 to vector<1x128xf32>
        %add3A_237 = arith.addf %add3A_236, %mul3A_234 : vector<1x128xf32>
        %slice3A_238 = vector.extract_strided_slice %add3A_226 {offsets = [0, 128], sizes = [1, 128], strides = [1, 1]} : vector<1x512xf32> to vector<1x128xf32>
        %mul3A_239 = arith.constant 5.000000e-01 : f32
        %mul3A_240 = vector.broadcast %mul3A_239 : f32 to vector<1x128xf32>
        %mul3A_241 = arith.mulf %mul3A_240, %slice3A_238 : vector<1x128xf32>
        %tanh3A_242 = math.tanh %mul3A_241 : vector<1x128xf32>
        %mul3A_243 = arith.constant 5.000000e-01 : f32
        %mul3A_244 = vector.broadcast %mul3A_243 : f32 to vector<1x128xf32>
        %mul3A_245 = arith.mulf %mul3A_244, %tanh3A_242 : vector<1x128xf32>
        %add3A_246 = arith.constant 5.000000e-01 : f32
        %add3A_247 = vector.broadcast %add3A_246 : f32 to vector<1x128xf32>
        %add3A_248 = arith.addf %add3A_247, %mul3A_245 : vector<1x128xf32>
        %slice3A_249 = vector.extract_strided_slice %add3A_226 {offsets = [0, 256], sizes = [1, 128], strides = [1, 1]} : vector<1x512xf32> to vector<1x128xf32>
        %tanh3A_250 = math.tanh %slice3A_249 : vector<1x128xf32>
        %slice3A_251 = vector.extract_strided_slice %add3A_226 {offsets = [0, 384], sizes = [1, 128], strides = [1, 1]} : vector<1x512xf32> to vector<1x128xf32>
        %mul3A_252 = arith.constant 5.000000e-01 : f32
        %mul3A_253 = vector.broadcast %mul3A_252 : f32 to vector<1x128xf32>
        %mul3A_254 = arith.mulf %mul3A_253, %slice3A_251 : vector<1x128xf32>
        %tanh3A_255 = math.tanh %mul3A_254 : vector<1x128xf32>
        %mul3A_256 = arith.constant 5.000000e-01 : f32
        %mul3A_257 = vector.broadcast %mul3A_256 : f32 to vector<1x128xf32>
        %mul3A_258 = arith.mulf %mul3A_257, %tanh3A_255 : vector<1x128xf32>
        %add3A_259 = arith.constant 5.000000e-01 : f32
        %add3A_260 = vector.broadcast %add3A_259 : f32 to vector<1x128xf32>
        %add3A_261 = arith.addf %add3A_260, %mul3A_258 : vector<1x128xf32>
        %mul3A_262 = arith.mulf %add3A_248, %add3A_206 : vector<1x128xf32>
        %mul3A_263 = arith.mulf %add3A_237, %tanh3A_250 : vector<1x128xf32>
        %add3A_264 = arith.addf %mul3A_262, %mul3A_263 : vector<1x128xf32>
        %tanh3A_265 = math.tanh %add3A_264 : vector<1x128xf32>
        %mul3A_266 = arith.mulf %add3A_261, %tanh3A_265 : vector<1x128xf32>
        %get3A_267 = arith.index_cast %scan3A_71 : i32 to index
        %get3A_268 = arith.index_cast %add3A_216 : i32 to index
        %get3A_269 = memref.load %arg2[%get3A_267, %get3A_268] : memref<16x256xi32, #tpu.memory_space<smem>>
        %swap3A_270 = arith.index_cast %get3A_269 : i32 to index
        %swap3A_271 = arith.constant 0 : index
        %swap3A_272 = vector.load %arg14[%swap3A_270, %swap3A_271] : memref<10000x128xf32, #tpu.memory_space<vmem>>, vector<1x128xf32>
        tpu.vector_store %arg14[%swap3A_270, %swap3A_271], %mul3A_266 {strides = array<i32>} : memref<10000x128xf32, #tpu.memory_space<vmem>>, vector<1x128xf32>,
        %add3A_273 = arith.constant 3 : i32
        %add3A_274 = arith.addi %multiple_of3A, %add3A_273 : i32
        %reshape3A_275 = vector.shape_cast %mul3A_266 : vector<1x128xf32> to vector<128x1xf32>
        %get3A_276 = arith.index_cast %add3A_274 : i32 to index
        %get3A_277 = arith.constant 0 : index
        %get3A_278 = vector.load %arg16[%get3A_276, %get3A_277] : memref<256x512xf32, #tpu.memory_space<vmem>>, vector<1x512xf32>
        %mul3A_279 = vector.broadcast %reshape3A_275 : vector<128x1xf32> to vector<128x512xf32>
        %mul3A_280 = arith.mulf %mul3A_279, %get3A_43 : vector<128x512xf32>
        %reduce_sum3A_281 = arith.constant dense<0.000000e+00> : vector<512xf32>
        %reduce_sum3A_282 = vector.multi_reduction <add>, %mul3A_280, %reduce_sum3A_281 [0] : vector<128x512xf32> to vector<512xf32>
        %broadcast_in_dim3A_283 = vector.shape_cast %reduce_sum3A_282 : vector<512xf32> to vector<1x512xf32>
        %add3A_284 = arith.addf %get3A_278, %broadcast_in_dim3A_283 : vector<1x512xf32>
        %slice3A_285 = vector.extract_strided_slice %add3A_284 {offsets = [0, 0], sizes = [1, 128], strides = [1, 1]} : vector<1x512xf32> to vector<1x128xf32>
        %mul3A_286 = arith.constant 5.000000e-01 : f32
        %mul3A_287 = vector.broadcast %mul3A_286 : f32 to vector<1x128xf32>
        %mul3A_288 = arith.mulf %mul3A_287, %slice3A_285 : vector<1x128xf32>
        %tanh3A_289 = math.tanh %mul3A_288 : vector<1x128xf32>
        %mul3A_290 = arith.constant 5.000000e-01 : f32
        %mul3A_291 = vector.broadcast %mul3A_290 : f32 to vector<1x128xf32>
        %mul3A_292 = arith.mulf %mul3A_291, %tanh3A_289 : vector<1x128xf32>
        %add3A_293 = arith.constant 5.000000e-01 : f32
        %add3A_294 = vector.broadcast %add3A_293 : f32 to vector<1x128xf32>
        %add3A_295 = arith.addf %add3A_294, %mul3A_292 : vector<1x128xf32>
        %slice3A_296 = vector.extract_strided_slice %add3A_284 {offsets = [0, 128], sizes = [1, 128], strides = [1, 1]} : vector<1x512xf32> to vector<1x128xf32>
        %mul3A_297 = arith.constant 5.000000e-01 : f32
        %mul3A_298 = vector.broadcast %mul3A_297 : f32 to vector<1x128xf32>
        %mul3A_299 = arith.mulf %mul3A_298, %slice3A_296 : vector<1x128xf32>
        %tanh3A_300 = math.tanh %mul3A_299 : vector<1x128xf32>
        %mul3A_301 = arith.constant 5.000000e-01 : f32
        %mul3A_302 = vector.broadcast %mul3A_301 : f32 to vector<1x128xf32>
        %mul3A_303 = arith.mulf %mul3A_302, %tanh3A_300 : vector<1x128xf32>
        %add3A_304 = arith.constant 5.000000e-01 : f32
        %add3A_305 = vector.broadcast %add3A_304 : f32 to vector<1x128xf32>
        %add3A_306 = arith.addf %add3A_305, %mul3A_303 : vector<1x128xf32>
        %slice3A_307 = vector.extract_strided_slice %add3A_284 {offsets = [0, 256], sizes = [1, 128], strides = [1, 1]} : vector<1x512xf32> to vector<1x128xf32>
        %tanh3A_308 = math.tanh %slice3A_307 : vector<1x128xf32>
        %slice3A_309 = vector.extract_strided_slice %add3A_284 {offsets = [0, 384], sizes = [1, 128], strides = [1, 1]} : vector<1x512xf32> to vector<1x128xf32>
        %mul3A_310 = arith.constant 5.000000e-01 : f32
        %mul3A_311 = vector.broadcast %mul3A_310 : f32 to vector<1x128xf32>
        %mul3A_312 = arith.mulf %mul3A_311, %slice3A_309 : vector<1x128xf32>
        %tanh3A_313 = math.tanh %mul3A_312 : vector<1x128xf32>
        %mul3A_314 = arith.constant 5.000000e-01 : f32
        %mul3A_315 = vector.broadcast %mul3A_314 : f32 to vector<1x128xf32>
        %mul3A_316 = arith.mulf %mul3A_315, %tanh3A_313 : vector<1x128xf32>
        %add3A_317 = arith.constant 5.000000e-01 : f32
        %add3A_318 = vector.broadcast %add3A_317 : f32 to vector<1x128xf32>
        %add3A_319 = arith.addf %add3A_318, %mul3A_316 : vector<1x128xf32>
        %mul3A_320 = arith.mulf %add3A_306, %add3A_264 : vector<1x128xf32>
        %mul3A_321 = arith.mulf %add3A_295, %tanh3A_308 : vector<1x128xf32>
        %add3A_322 = arith.addf %mul3A_320, %mul3A_321 : vector<1x128xf32>
        %tanh3A_323 = math.tanh %add3A_322 : vector<1x128xf32>
        %mul3A_324 = arith.mulf %add3A_319, %tanh3A_323 : vector<1x128xf32>
        %get3A_325 = arith.index_cast %scan3A_71 : i32 to index
        %get3A_326 = arith.index_cast %add3A_274 : i32 to index
        %get3A_327 = memref.load %arg2[%get3A_325, %get3A_326] : memref<16x256xi32, #tpu.memory_space<smem>>
        %swap3A_328 = arith.index_cast %get3A_327 : i32 to index
        %swap3A_329 = arith.constant 0 : index
        %swap3A_330 = vector.load %arg14[%swap3A_328, %swap3A_329] : memref<10000x128xf32, #tpu.memory_space<vmem>>, vector<1x128xf32>
        tpu.vector_store %arg14[%swap3A_328, %swap3A_329], %mul3A_324 {strides = array<i32>} : memref<10000x128xf32, #tpu.memory_space<vmem>>, vector<1x128xf32>,
        %add3A_331 = arith.constant 4 : i32
        %add3A_332 = arith.addi %multiple_of3A, %add3A_331 : i32
        %reshape3A_333 = vector.shape_cast %mul3A_324 : vector<1x128xf32> to vector<128x1xf32>
        %get3A_334 = arith.index_cast %add3A_332 : i32 to index
        %get3A_335 = arith.constant 0 : index
        %get3A_336 = vector.load %arg16[%get3A_334, %get3A_335] : memref<256x512xf32, #tpu.memory_space<vmem>>, vector<1x512xf32>
        %mul3A_337 = vector.broadcast %reshape3A_333 : vector<128x1xf32> to vector<128x512xf32>
        %mul3A_338 = arith.mulf %mul3A_337, %get3A_43 : vector<128x512xf32>
        %reduce_sum3A_339 = arith.constant dense<0.000000e+00> : vector<512xf32>
        %reduce_sum3A_340 = vector.multi_reduction <add>, %mul3A_338, %reduce_sum3A_339 [0] : vector<128x512xf32> to vector<512xf32>
        %broadcast_in_dim3A_341 = vector.shape_cast %reduce_sum3A_340 : vector<512xf32> to vector<1x512xf32>
        %add3A_342 = arith.addf %get3A_336, %broadcast_in_dim3A_341 : vector<1x512xf32>
        %slice3A_343 = vector.extract_strided_slice %add3A_342 {offsets = [0, 0], sizes = [1, 128], strides = [1, 1]} : vector<1x512xf32> to vector<1x128xf32>
        %mul3A_344 = arith.constant 5.000000e-01 : f32
        %mul3A_345 = vector.broadcast %mul3A_344 : f32 to vector<1x128xf32>
        %mul3A_346 = arith.mulf %mul3A_345, %slice3A_343 : vector<1x128xf32>
        %tanh3A_347 = math.tanh %mul3A_346 : vector<1x128xf32>
        %mul3A_348 = arith.constant 5.000000e-01 : f32
        %mul3A_349 = vector.broadcast %mul3A_348 : f32 to vector<1x128xf32>
        %mul3A_350 = arith.mulf %mul3A_349, %tanh3A_347 : vector<1x128xf32>
        %add3A_351 = arith.constant 5.000000e-01 : f32
        %add3A_352 = vector.broadcast %add3A_351 : f32 to vector<1x128xf32>
        %add3A_353 = arith.addf %add3A_352, %mul3A_350 : vector<1x128xf32>
        %slice3A_354 = vector.extract_strided_slice %add3A_342 {offsets = [0, 128], sizes = [1, 128], strides = [1, 1]} : vector<1x512xf32> to vector<1x128xf32>
        %mul3A_355 = arith.constant 5.000000e-01 : f32
        %mul3A_356 = vector.broadcast %mul3A_355 : f32 to vector<1x128xf32>
        %mul3A_357 = arith.mulf %mul3A_356, %slice3A_354 : vector<1x128xf32>
        %tanh3A_358 = math.tanh %mul3A_357 : vector<1x128xf32>
        %mul3A_359 = arith.constant 5.000000e-01 : f32
        %mul3A_360 = vector.broadcast %mul3A_359 : f32 to vector<1x128xf32>
        %mul3A_361 = arith.mulf %mul3A_360, %tanh3A_358 : vector<1x128xf32>
        %add3A_362 = arith.constant 5.000000e-01 : f32
        %add3A_363 = vector.broadcast %add3A_362 : f32 to vector<1x128xf32>
        %add3A_364 = arith.addf %add3A_363, %mul3A_361 : vector<1x128xf32>
        %slice3A_365 = vector.extract_strided_slice %add3A_342 {offsets = [0, 256], sizes = [1, 128], strides = [1, 1]} : vector<1x512xf32> to vector<1x128xf32>
        %tanh3A_366 = math.tanh %slice3A_365 : vector<1x128xf32>
        %slice3A_367 = vector.extract_strided_slice %add3A_342 {offsets = [0, 384], sizes = [1, 128], strides = [1, 1]} : vector<1x512xf32> to vector<1x128xf32>
        %mul3A_368 = arith.constant 5.000000e-01 : f32
        %mul3A_369 = vector.broadcast %mul3A_368 : f32 to vector<1x128xf32>
        %mul3A_370 = arith.mulf %mul3A_369, %slice3A_367 : vector<1x128xf32>
        %tanh3A_371 = math.tanh %mul3A_370 : vector<1x128xf32>
        %mul3A_372 = arith.constant 5.000000e-01 : f32
        %mul3A_373 = vector.broadcast %mul3A_372 : f32 to vector<1x128xf32>
        %mul3A_374 = arith.mulf %mul3A_373, %tanh3A_371 : vector<1x128xf32>
        %add3A_375 = arith.constant 5.000000e-01 : f32
        %add3A_376 = vector.broadcast %add3A_375 : f32 to vector<1x128xf32>
        %add3A_377 = arith.addf %add3A_376, %mul3A_374 : vector<1x128xf32>
        %mul3A_378 = arith.mulf %add3A_364, %add3A_322 : vector<1x128xf32>
        %mul3A_379 = arith.mulf %add3A_353, %tanh3A_366 : vector<1x128xf32>
        %add3A_380 = arith.addf %mul3A_378, %mul3A_379 : vector<1x128xf32>
        %tanh3A_381 = math.tanh %add3A_380 : vector<1x128xf32>
        %mul3A_382 = arith.mulf %add3A_377, %tanh3A_381 : vector<1x128xf32>
        %get3A_383 = arith.index_cast %scan3A_71 : i32 to index
        %get3A_384 = arith.index_cast %add3A_332 : i32 to index
        %get3A_385 = memref.load %arg2[%get3A_383, %get3A_384] : memref<16x256xi32, #tpu.memory_space<smem>>
        %swap3A_386 = arith.index_cast %get3A_385 : i32 to index
        %swap3A_387 = arith.constant 0 : index
        %swap3A_388 = vector.load %arg14[%swap3A_386, %swap3A_387] : memref<10000x128xf32, #tpu.memory_space<vmem>>, vector<1x128xf32>
        tpu.vector_store %arg14[%swap3A_386, %swap3A_387], %mul3A_382 {strides = array<i32>} : memref<10000x128xf32, #tpu.memory_space<vmem>>, vector<1x128xf32>,
        %add3A_389 = arith.constant 5 : i32
        %add3A_390 = arith.addi %multiple_of3A, %add3A_389 : i32
        %reshape3A_391 = vector.shape_cast %mul3A_382 : vector<1x128xf32> to vector<128x1xf32>
        %get3A_392 = arith.index_cast %add3A_390 : i32 to index
        %get3A_393 = arith.constant 0 : index
        %get3A_394 = vector.load %arg16[%get3A_392, %get3A_393] : memref<256x512xf32, #tpu.memory_space<vmem>>, vector<1x512xf32>
        %mul3A_395 = vector.broadcast %reshape3A_391 : vector<128x1xf32> to vector<128x512xf32>
        %mul3A_396 = arith.mulf %mul3A_395, %get3A_43 : vector<128x512xf32>
        %reduce_sum3A_397 = arith.constant dense<0.000000e+00> : vector<512xf32>
        %reduce_sum3A_398 = vector.multi_reduction <add>, %mul3A_396, %reduce_sum3A_397 [0] : vector<128x512xf32> to vector<512xf32>
        %broadcast_in_dim3A_399 = vector.shape_cast %reduce_sum3A_398 : vector<512xf32> to vector<1x512xf32>
        %add3A_400 = arith.addf %get3A_394, %broadcast_in_dim3A_399 : vector<1x512xf32>
        %slice3A_401 = vector.extract_strided_slice %add3A_400 {offsets = [0, 0], sizes = [1, 128], strides = [1, 1]} : vector<1x512xf32> to vector<1x128xf32>
        %mul3A_402 = arith.constant 5.000000e-01 : f32
        %mul3A_403 = vector.broadcast %mul3A_402 : f32 to vector<1x128xf32>
        %mul3A_404 = arith.mulf %mul3A_403, %slice3A_401 : vector<1x128xf32>
        %tanh3A_405 = math.tanh %mul3A_404 : vector<1x128xf32>
        %mul3A_406 = arith.constant 5.000000e-01 : f32
        %mul3A_407 = vector.broadcast %mul3A_406 : f32 to vector<1x128xf32>
        %mul3A_408 = arith.mulf %mul3A_407, %tanh3A_405 : vector<1x128xf32>
        %add3A_409 = arith.constant 5.000000e-01 : f32
        %add3A_410 = vector.broadcast %add3A_409 : f32 to vector<1x128xf32>
        %add3A_411 = arith.addf %add3A_410, %mul3A_408 : vector<1x128xf32>
        %slice3A_412 = vector.extract_strided_slice %add3A_400 {offsets = [0, 128], sizes = [1, 128], strides = [1, 1]} : vector<1x512xf32> to vector<1x128xf32>
        %mul3A_413 = arith.constant 5.000000e-01 : f32
        %mul3A_414 = vector.broadcast %mul3A_413 : f32 to vector<1x128xf32>
        %mul3A_415 = arith.mulf %mul3A_414, %slice3A_412 : vector<1x128xf32>
        %tanh3A_416 = math.tanh %mul3A_415 : vector<1x128xf32>
        %mul3A_417 = arith.constant 5.000000e-01 : f32
        %mul3A_418 = vector.broadcast %mul3A_417 : f32 to vector<1x128xf32>
        %mul3A_419 = arith.mulf %mul3A_418, %tanh3A_416 : vector<1x128xf32>
        %add3A_420 = arith.constant 5.000000e-01 : f32
        %add3A_421 = vector.broadcast %add3A_420 : f32 to vector<1x128xf32>
        %add3A_422 = arith.addf %add3A_421, %mul3A_419 : vector<1x128xf32>
        %slice3A_423 = vector.extract_strided_slice %add3A_400 {offsets = [0, 256], sizes = [1, 128], strides = [1, 1]} : vector<1x512xf32> to vector<1x128xf32>
        %tanh3A_424 = math.tanh %slice3A_423 : vector<1x128xf32>
        %slice3A_425 = vector.extract_strided_slice %add3A_400 {offsets = [0, 384], sizes = [1, 128], strides = [1, 1]} : vector<1x512xf32> to vector<1x128xf32>
        %mul3A_426 = arith.constant 5.000000e-01 : f32
        %mul3A_427 = vector.broadcast %mul3A_426 : f32 to vector<1x128xf32>
        %mul3A_428 = arith.mulf %mul3A_427, %slice3A_425 : vector<1x128xf32>
        %tanh3A_429 = math.tanh %mul3A_428 : vector<1x128xf32>
        %mul3A_430 = arith.constant 5.000000e-01 : f32
        %mul3A_431 = vector.broadcast %mul3A_430 : f32 to vector<1x128xf32>
        %mul3A_432 = arith.mulf %mul3A_431, %tanh3A_429 : vector<1x128xf32>
        %add3A_433 = arith.constant 5.000000e-01 : f32
        %add3A_434 = vector.broadcast %add3A_433 : f32 to vector<1x128xf32>
        %add3A_435 = arith.addf %add3A_434, %mul3A_432 : vector<1x128xf32>
        %mul3A_436 = arith.mulf %add3A_422, %add3A_380 : vector<1x128xf32>
        %mul3A_437 = arith.mulf %add3A_411, %tanh3A_424 : vector<1x128xf32>
        %add3A_438 = arith.addf %mul3A_436, %mul3A_437 : vector<1x128xf32>
        %tanh3A_439 = math.tanh %add3A_438 : vector<1x128xf32>
        %mul3A_440 = arith.mulf %add3A_435, %tanh3A_439 : vector<1x128xf32>
        %get3A_441 = arith.index_cast %scan3A_71 : i32 to index
        %get3A_442 = arith.index_cast %add3A_390 : i32 to index
        %get3A_443 = memref.load %arg2[%get3A_441, %get3A_442] : memref<16x256xi32, #tpu.memory_space<smem>>
        %swap3A_444 = arith.index_cast %get3A_443 : i32 to index
        %swap3A_445 = arith.constant 0 : index
        %swap3A_446 = vector.load %arg14[%swap3A_444, %swap3A_445] : memref<10000x128xf32, #tpu.memory_space<vmem>>, vector<1x128xf32>
        tpu.vector_store %arg14[%swap3A_444, %swap3A_445], %mul3A_440 {strides = array<i32>} : memref<10000x128xf32, #tpu.memory_space<vmem>>, vector<1x128xf32>,
        %add3A_447 = arith.constant 6 : i32
        %add3A_448 = arith.addi %multiple_of3A, %add3A_447 : i32
        %reshape3A_449 = vector.shape_cast %mul3A_440 : vector<1x128xf32> to vector<128x1xf32>
        %get3A_450 = arith.index_cast %add3A_448 : i32 to index
        %get3A_451 = arith.constant 0 : index
        %get3A_452 = vector.load %arg16[%get3A_450, %get3A_451] : memref<256x512xf32, #tpu.memory_space<vmem>>, vector<1x512xf32>
        %mul3A_453 = vector.broadcast %reshape3A_449 : vector<128x1xf32> to vector<128x512xf32>
        %mul3A_454 = arith.mulf %mul3A_453, %get3A_43 : vector<128x512xf32>
        %reduce_sum3A_455 = arith.constant dense<0.000000e+00> : vector<512xf32>
        %reduce_sum3A_456 = vector.multi_reduction <add>, %mul3A_454, %reduce_sum3A_455 [0] : vector<128x512xf32> to vector<512xf32>
        %broadcast_in_dim3A_457 = vector.shape_cast %reduce_sum3A_456 : vector<512xf32> to vector<1x512xf32>
        %add3A_458 = arith.addf %get3A_452, %broadcast_in_dim3A_457 : vector<1x512xf32>
        %slice3A_459 = vector.extract_strided_slice %add3A_458 {offsets = [0, 0], sizes = [1, 128], strides = [1, 1]} : vector<1x512xf32> to vector<1x128xf32>
        %mul3A_460 = arith.constant 5.000000e-01 : f32
        %mul3A_461 = vector.broadcast %mul3A_460 : f32 to vector<1x128xf32>
        %mul3A_462 = arith.mulf %mul3A_461, %slice3A_459 : vector<1x128xf32>
        %tanh3A_463 = math.tanh %mul3A_462 : vector<1x128xf32>
        %mul3A_464 = arith.constant 5.000000e-01 : f32
        %mul3A_465 = vector.broadcast %mul3A_464 : f32 to vector<1x128xf32>
        %mul3A_466 = arith.mulf %mul3A_465, %tanh3A_463 : vector<1x128xf32>
        %add3A_467 = arith.constant 5.000000e-01 : f32
        %add3A_468 = vector.broadcast %add3A_467 : f32 to vector<1x128xf32>
        %add3A_469 = arith.addf %add3A_468, %mul3A_466 : vector<1x128xf32>
        %slice3A_470 = vector.extract_strided_slice %add3A_458 {offsets = [0, 128], sizes = [1, 128], strides = [1, 1]} : vector<1x512xf32> to vector<1x128xf32>
        %mul3A_471 = arith.constant 5.000000e-01 : f32
        %mul3A_472 = vector.broadcast %mul3A_471 : f32 to vector<1x128xf32>
        %mul3A_473 = arith.mulf %mul3A_472, %slice3A_470 : vector<1x128xf32>
        %tanh3A_474 = math.tanh %mul3A_473 : vector<1x128xf32>
        %mul3A_475 = arith.constant 5.000000e-01 : f32
        %mul3A_476 = vector.broadcast %mul3A_475 : f32 to vector<1x128xf32>
        %mul3A_477 = arith.mulf %mul3A_476, %tanh3A_474 : vector<1x128xf32>
        %add3A_478 = arith.constant 5.000000e-01 : f32
        %add3A_479 = vector.broadcast %add3A_478 : f32 to vector<1x128xf32>
        %add3A_480 = arith.addf %add3A_479, %mul3A_477 : vector<1x128xf32>
        %slice3A_481 = vector.extract_strided_slice %add3A_458 {offsets = [0, 256], sizes = [1, 128], strides = [1, 1]} : vector<1x512xf32> to vector<1x128xf32>
        %tanh3A_482 = math.tanh %slice3A_481 : vector<1x128xf32>
        %slice3A_483 = vector.extract_strided_slice %add3A_458 {offsets = [0, 384], sizes = [1, 128], strides = [1, 1]} : vector<1x512xf32> to vector<1x128xf32>
        %mul3A_484 = arith.constant 5.000000e-01 : f32
        %mul3A_485 = vector.broadcast %mul3A_484 : f32 to vector<1x128xf32>
        %mul3A_486 = arith.mulf %mul3A_485, %slice3A_483 : vector<1x128xf32>
        %tanh3A_487 = math.tanh %mul3A_486 : vector<1x128xf32>
        %mul3A_488 = arith.constant 5.000000e-01 : f32
        %mul3A_489 = vector.broadcast %mul3A_488 : f32 to vector<1x128xf32>
        %mul3A_490 = arith.mulf %mul3A_489, %tanh3A_487 : vector<1x128xf32>
        %add3A_491 = arith.constant 5.000000e-01 : f32
        %add3A_492 = vector.broadcast %add3A_491 : f32 to vector<1x128xf32>
        %add3A_493 = arith.addf %add3A_492, %mul3A_490 : vector<1x128xf32>
        %mul3A_494 = arith.mulf %add3A_480, %add3A_438 : vector<1x128xf32>
        %mul3A_495 = arith.mulf %add3A_469, %tanh3A_482 : vector<1x128xf32>
        %add3A_496 = arith.addf %mul3A_494, %mul3A_495 : vector<1x128xf32>
        %tanh3A_497 = math.tanh %add3A_496 : vector<1x128xf32>
        %mul3A_498 = arith.mulf %add3A_493, %tanh3A_497 : vector<1x128xf32>
        %get3A_499 = arith.index_cast %scan3A_71 : i32 to index
        %get3A_500 = arith.index_cast %add3A_448 : i32 to index
        %get3A_501 = memref.load %arg2[%get3A_499, %get3A_500] : memref<16x256xi32, #tpu.memory_space<smem>>
        %swap3A_502 = arith.index_cast %get3A_501 : i32 to index
        %swap3A_503 = arith.constant 0 : index
        %swap3A_504 = vector.load %arg14[%swap3A_502, %swap3A_503] : memref<10000x128xf32, #tpu.memory_space<vmem>>, vector<1x128xf32>
        tpu.vector_store %arg14[%swap3A_502, %swap3A_503], %mul3A_498 {strides = array<i32>} : memref<10000x128xf32, #tpu.memory_space<vmem>>, vector<1x128xf32>,
        %add3A_505 = arith.constant 7 : i32
        %add3A_506 = arith.addi %multiple_of3A, %add3A_505 : i32
        %reshape3A_507 = vector.shape_cast %mul3A_498 : vector<1x128xf32> to vector<128x1xf32>
        %get3A_508 = arith.index_cast %add3A_506 : i32 to index
        %get3A_509 = arith.constant 0 : index
        %get3A_510 = vector.load %arg16[%get3A_508, %get3A_509] : memref<256x512xf32, #tpu.memory_space<vmem>>, vector<1x512xf32>
        %mul3A_511 = vector.broadcast %reshape3A_507 : vector<128x1xf32> to vector<128x512xf32>
        %mul3A_512 = arith.mulf %mul3A_511, %get3A_43 : vector<128x512xf32>
        %reduce_sum3A_513 = arith.constant dense<0.000000e+00> : vector<512xf32>
        %reduce_sum3A_514 = vector.multi_reduction <add>, %mul3A_512, %reduce_sum3A_513 [0] : vector<128x512xf32> to vector<512xf32>
        %broadcast_in_dim3A_515 = vector.shape_cast %reduce_sum3A_514 : vector<512xf32> to vector<1x512xf32>
        %add3A_516 = arith.addf %get3A_510, %broadcast_in_dim3A_515 : vector<1x512xf32>
        %slice3A_517 = vector.extract_strided_slice %add3A_516 {offsets = [0, 0], sizes = [1, 128], strides = [1, 1]} : vector<1x512xf32> to vector<1x128xf32>
        %mul3A_518 = arith.constant 5.000000e-01 : f32
        %mul3A_519 = vector.broadcast %mul3A_518 : f32 to vector<1x128xf32>
        %mul3A_520 = arith.mulf %mul3A_519, %slice3A_517 : vector<1x128xf32>
        %tanh3A_521 = math.tanh %mul3A_520 : vector<1x128xf32>
        %mul3A_522 = arith.constant 5.000000e-01 : f32
        %mul3A_523 = vector.broadcast %mul3A_522 : f32 to vector<1x128xf32>
        %mul3A_524 = arith.mulf %mul3A_523, %tanh3A_521 : vector<1x128xf32>
        %add3A_525 = arith.constant 5.000000e-01 : f32
        %add3A_526 = vector.broadcast %add3A_525 : f32 to vector<1x128xf32>
        %add3A_527 = arith.addf %add3A_526, %mul3A_524 : vector<1x128xf32>
        %slice3A_528 = vector.extract_strided_slice %add3A_516 {offsets = [0, 128], sizes = [1, 128], strides = [1, 1]} : vector<1x512xf32> to vector<1x128xf32>
        %mul3A_529 = arith.constant 5.000000e-01 : f32
        %mul3A_530 = vector.broadcast %mul3A_529 : f32 to vector<1x128xf32>
        %mul3A_531 = arith.mulf %mul3A_530, %slice3A_528 : vector<1x128xf32>
        %tanh3A_532 = math.tanh %mul3A_531 : vector<1x128xf32>
        %mul3A_533 = arith.constant 5.000000e-01 : f32
        %mul3A_534 = vector.broadcast %mul3A_533 : f32 to vector<1x128xf32>
        %mul3A_535 = arith.mulf %mul3A_534, %tanh3A_532 : vector<1x128xf32>
        %add3A_536 = arith.constant 5.000000e-01 : f32
        %add3A_537 = vector.broadcast %add3A_536 : f32 to vector<1x128xf32>
        %add3A_538 = arith.addf %add3A_537, %mul3A_535 : vector<1x128xf32>
        %slice3A_539 = vector.extract_strided_slice %add3A_516 {offsets = [0, 256], sizes = [1, 128], strides = [1, 1]} : vector<1x512xf32> to vector<1x128xf32>
        %tanh3A_540 = math.tanh %slice3A_539 : vector<1x128xf32>
        %slice3A_541 = vector.extract_strided_slice %add3A_516 {offsets = [0, 384], sizes = [1, 128], strides = [1, 1]} : vector<1x512xf32> to vector<1x128xf32>
        %mul3A_542 = arith.constant 5.000000e-01 : f32
        %mul3A_543 = vector.broadcast %mul3A_542 : f32 to vector<1x128xf32>
        %mul3A_544 = arith.mulf %mul3A_543, %slice3A_541 : vector<1x128xf32>
        %tanh3A_545 = math.tanh %mul3A_544 : vector<1x128xf32>
        %mul3A_546 = arith.constant 5.000000e-01 : f32
        %mul3A_547 = vector.broadcast %mul3A_546 : f32 to vector<1x128xf32>
        %mul3A_548 = arith.mulf %mul3A_547, %tanh3A_545 : vector<1x128xf32>
        %add3A_549 = arith.constant 5.000000e-01 : f32
        %add3A_550 = vector.broadcast %add3A_549 : f32 to vector<1x128xf32>
        %add3A_551 = arith.addf %add3A_550, %mul3A_548 : vector<1x128xf32>
        %mul3A_552 = arith.mulf %add3A_538, %add3A_496 : vector<1x128xf32>
        %mul3A_553 = arith.mulf %add3A_527, %tanh3A_540 : vector<1x128xf32>
        %add3A_554 = arith.addf %mul3A_552, %mul3A_553 : vector<1x128xf32>
        %tanh3A_555 = math.tanh %add3A_554 : vector<1x128xf32>
        %mul3A_556 = arith.mulf %add3A_551, %tanh3A_555 : vector<1x128xf32>
        %get3A_557 = arith.index_cast %scan3A_71 : i32 to index
        %get3A_558 = arith.index_cast %add3A_506 : i32 to index
        %get3A_559 = memref.load %arg2[%get3A_557, %get3A_558] : memref<16x256xi32, #tpu.memory_space<smem>>
        %swap3A_560 = arith.index_cast %get3A_559 : i32 to index
        %swap3A_561 = arith.constant 0 : index
        %swap3A_562 = vector.load %arg14[%swap3A_560, %swap3A_561] : memref<10000x128xf32, #tpu.memory_space<vmem>>, vector<1x128xf32>
        tpu.vector_store %arg14[%swap3A_560, %swap3A_561], %mul3A_556 {strides = array<i32>} : memref<10000x128xf32, #tpu.memory_space<vmem>>, vector<1x128xf32>,
        scf.yield %mul3A_556, %add3A_554 : vector<1x128xf32>, vector<1x128xf32>
      }
      %scan3A_97 = arith.constant 32 : i32
    }
    %scan3A_54 = arith.constant 16 : i32
    %get3A_55 = arith.constant 0 : index
    %get3A_56 = arith.constant 0 : index
    %get3A_57 = vector.load %arg14[%get3A_55, %get3A_56] : memref<10000x128xf32, #tpu.memory_space<vmem>>, vector<10000x128xf32>
    %get3A_58 = arith.constant 0 : index
    %get3A_59 = arith.constant 0 : index
    %get3A_60 = vector.load %arg11[%get3A_58, %get3A_59] : memref<128x128xf32, #tpu.memory_space<vmem>>, vector<128x128xf32>
    %dot_general3A_61 = arith.constant dense<0.000000e+00> : vector<10000x128xf32>
    %dot_general3A_62 = tpu.matmul %get3A_57, %get3A_60, %dot_general3A_61 {dimension_numbers = #tpu.dot_dimension_numbers<[1], [0], [0], [1], [0, 0, 1, 1], [], []>, transpose_lhs_hint = false} : vector<10000x128xf32>, vector<128x128xf32>, vector<10000x128xf32> -> vector<10000x128xf32>
    %get3A_63 = arith.constant 0 : index
    %get3A_64 = arith.constant 0 : index
    %get3A_65 = vector.load %arg12[%get3A_63, %get3A_64] : memref<1x128xf32, #tpu.memory_space<vmem>>, vector<1x128xf32>
    %add3A_66 = vector.broadcast %get3A_65 : vector<1x128xf32> to vector<10000x128xf32>
    %add3A_67 = arith.addf %dot_general3A_62, %add3A_66 : vector<10000x128xf32>
    %swap3A_68 = arith.constant 0 : index
    %swap3A_69 = arith.constant 0 : index
    %swap3A_70 = vector.load %arg13[%swap3A_68, %swap3A_69] : memref<10000x128xf32, #tpu.memory_space<vmem>>, vector<10000x128xf32>
    tpu.vector_store %arg13[%swap3A_68, %swap3A_69], %add3A_67 {strides = array<i32>} : memref<10000x128xf32, #tpu.memory_space<vmem>>, vector<10000x128xf32>,
    return
  }
}

</mosaic_0001>

<sc_bundles>
// kernel: kernel.6.cloned.1.call-start
scs
__scs_entry_jumppad:
0x0: {  	(pc) =	sbr.rel $0x88, $3  }
0x1: {  	(tag) =	ssettag $0x0;
	lr =	simm.s32 $0x1  }
0x2: {  	[smem:$0x3F94] =	sst lr;
	_ =	strace $0xD0000000  }
0x3: {  	_ = 	snop  }
0x4: {  	_ = 	snop  }
0x5: {  	_ = 	snop  }
0x6: {  	_ = 	snop  }
0x7: {  	_ = 	snop  }
__scs_overlays_trampoline_lowered:
0x8: {  	[smem:$0x3FA3] =	sst s0  }
0x9: {  	[smem:$0x3FA4] =	sst s1  }
0xa: {  	[smem:$0x3FA5] =	sst s2  }
0xb: {  	[smem:$0x3FA6] =	sst s3  }
0xc: {  	[smem:$0x3FA7] =	sst s4  }
0xd: {  	[smem:$0x3FA8] =	sst s5  }
0xe: {  	[smem:$0x3FA9] =	sst s6  }
0xf: {  	[smem:$0x3FAA] =	sst s7  }
0x10: {  	[smem:$0x3FAB] =	sst s8  }
0x11: {  	[smem:$0x3FAC] =	sst s9;
	s0 =	simm.s32 @!p0 $0x0  }
0x12: {  	s1 =	sld [smem:$0x3F92];
	s0 =	simm.s32 @p0 $0x1  }
0x13: {  	[smem:$0x3FAD] =	sst s0;
	s0 =	simm.s32 @!p1 $0x0  }
0x14: {  	s2 =	sld [smem:$0x3F91];
	s0 =	simm.s32 @p1 $0x1  }
0x15: {  	[smem:$0x3FAE] =	sst s0;
	s0 =	simm.s32 @!p2 $0x0  }
0x16: {  	s3 =	sld [smem:$0x3FDB];
	s0 =	simm.s32 @p2 $0x1  }
0x17: {  	s4 =	simm.s32 $0x1BF5;
	[smem:$0x3FB0] =	sst s0  }
0x18: {  	s0 =	sld [smem:$0x3F93];
	_ =	swait.ge [sflag:s4], $0x0  }
0x19: {  	s7 =	sld [smem:$0x3F94]  }
0x1a: {  	s8 =	sadd.s32 $0xFFFFE003, lr  }
0x1b: {  	s9 =	sadd.s32 $0xFFFFFEF7, lr;
	s5 =	simm.s32 $0xFFFFFFFF;
	p2 =	slt.u32 s8, $0xFFFFF086  }
0x1c: {  	p1 =	slt.u32 s9, $0xF7A;
	s5 =	simm.s32 @!p2 $0x0  }
0x1d: {  	s5 =	simm.s32 @p1 $0x1;
	p0 =	seq.s32 s7, s2  }
0x1e: {  	s7 =	smul.u32 @!p0 $0xF7A, s2;
	p2 =	seq.s32 @!p0 s5, $0x0  }
0x1f: {  	s9 =	smul.u32 $0xF7A, s1;
	s8 =	simm.s32 @!p0 $0x1BF5;
	p2 =	por !p2, p0  }
0x20: {  	[sflag:s8] =	ssyncset.s32 @!p0 $0xFFFFF086;
	s6 =	sadd.s32 @!p0 s3, s7;
	s7 =	simm.s32 @!p0 $0x108  }
0x21: {  	s3 =	sadd.s32 s3, s9;
	s6 =	sadd.s32 @!p0 $0x88, s6;
	s7 =	simm.s32 @p2 $0x1082  }
0x22: {  	[simem:s7], [sflag:s8] =	dma.local @!p0 [hbm:s6], $0xF7A  }
0x23: {  	s9 =	sor.u32 $0xD0000000, s2;
	s6 =	simm.s32 $0x108;
	_ =	swait.ge @!p0 [sflag:s8], $0x0  }
0x24: {  	s3 =	sadd.s32 $0x88, s3;
	s6 =	simm.s32 @!p1 $0x1082;
	[sflag:s4] =	ssyncset.s32 $0xFFFFF086  }
0x25: {  	[simem:s6], [sflag:s4] =	dma.local [hbm:s3], $0xF7A  }
0x26: {  	[smem:$0x3F94] =	sst s1;
	(tag) =	ssettag s2;
	_ =	strace s9  }
0x27: {  	s1 =	sld [smem:$0x3FA4]  }
0x28: {  	s2 =	sld [smem:$0x3FA5]  }
0x29: {  	s4 =	sld [smem:$0x3FA7]  }
0x2a: {  	p0 =	seq.s32 s5, $0x0;
	s5 =	sld [smem:$0x3FA8]  }
0x2b: {  	s6 =	sld [smem:$0x3FA9]  }
0x2c: {  	s7 =	sld [smem:$0x3FAA]  }
0x2d: {  	s3 =	simm.s32 $0x108;
	s8 =	sld [smem:$0x3FAB]  }
0x2e: {  	s3 =	simm.s32 @!p0 $0x1082;
	s9 =	sld [smem:$0x3FAC]  }
0x2f: {  	lr =	sadd.s32 s0, s3;
	s0 =	sld [smem:$0x3FA3]  }
0x30: {  	s3 =	sld [smem:$0x3FA6]  }
0x31: {  	[smem:$0x3FAF] =	sst s10  }
0x32: {  	s10 =	sld [smem:$0x3FAD];
	_ =	sdelay $0x3  }
0x33: {  	p0 =	seq.s32 s10, $0x1;
	s10 =	sld [smem:$0x3FAF];
	_ =	sdelay $0x3  }
0x34: {  	[smem:$0x3FAF] =	sst s10  }
0x35: {  	s10 =	sld [smem:$0x3FAE];
	_ =	sdelay $0x3  }
0x36: {  	p1 =	seq.s32 s10, $0x1;
	s10 =	sld [smem:$0x3FAF];
	_ =	sdelay $0x3  }
0x37: {  	[smem:$0x3FAF] =	sst s10  }
0x38: {  	s10 =	sld [smem:$0x3FB0]  }
0x39: {  	_ = 	snop;
	(pc) =	sbr.ind lr, $3  }
0x3a: {  	_ = 	snop  }
0x3b: {  	_ = 	snop  }
0x3c: {  	p2 =	seq.s32 s10, $0x1;
	s10 =	sld [smem:$0x3FAF]  }
0x3d: {  	_ =	shalt  }
0x3e: {  	_ =	shalt  }
0x3f: {  	_ =	shalt  }
0x40: {  	_ =	shalt  }
0x41: {  	_ =	shalt  }
0x42: {  	_ =	shalt  }
0x43: {  	_ =	shalt  }
0x44: {  	_ =	shalt  }
0x45: {  	_ =	shalt  }
0x46: {  	_ =	shalt  }
0x47: {  	_ =	shalt  }
0x48: {  	_ =	shalt  }
0x49: {  	_ =	shalt  }
0x4a: {  	_ =	shalt  }
0x4b: {  	_ =	shalt  }
0x4c: {  	_ =	shalt  }
0x4d: {  	_ =	shalt  }
0x4e: {  	_ =	shalt  }
0x4f: {  	_ =	shalt  }
0x50: {  	_ =	shalt  }
0x51: {  	_ =	shalt  }
0x52: {  	_ =	shalt  }
0x53: {  	_ =	shalt  }
0x54: {  	_ =	shalt  }
0x55: {  	_ =	shalt  }
0x56: {  	_ =	shalt  }
0x57: {  	_ =	shalt  }
0x58: {  	_ =	shalt  }
0x59: {  	_ =	shalt  }
0x5a: {  	_ =	shalt  }
0x5b: {  	_ =	shalt  }
0x5c: {  	_ =	shalt  }
0x5d: {  	_ =	shalt  }
0x5e: {  	_ =	shalt  }
0x5f: {  	_ =	shalt  }
0x60: {  	_ =	shalt  }
0x61: {  	_ =	shalt  }
0x62: {  	_ =	shalt  }
0x63: {  	_ =	shalt  }
0x64: {  	_ =	shalt  }
0x65: {  	_ =	shalt  }
0x66: {  	_ =	shalt  }
0x67: {  	_ =	shalt  }
0x68: {  	_ =	shalt  }
0x69: {  	_ =	shalt  }
0x6a: {  	_ =	shalt  }
0x6b: {  	_ =	shalt  }
0x6c: {  	_ =	shalt  }
0x6d: {  	_ =	shalt  }
0x6e: {  	_ =	shalt  }
0x6f: {  	_ =	shalt  }
0x70: {  	_ =	shalt  }
0x71: {  	_ =	shalt  }
0x72: {  	_ =	shalt  }
0x73: {  	_ =	shalt  }
0x74: {  	_ =	shalt  }
0x75: {  	_ =	shalt  }
0x76: {  	_ =	shalt  }
0x77: {  	_ =	shalt  }
0x78: {  	_ =	shalt  }
0x79: {  	_ =	shalt  }
0x7a: {  	_ =	shalt  }
0x7b: {  	_ =	shalt  }
0x7c: {  	_ =	shalt  }
0x7d: {  	_ =	shalt  }
0x7e: {  	_ =	shalt  }
0x7f: {  	_ =	shalt  }
0x80: {  	_ =	shalt  }
0x81: {  	_ =	shalt  }
0x82: {  	_ =	shalt  }
0x83: {  	_ =	shalt  }
0x84: {  	_ =	shalt  }
0x85: {  	_ =	shalt  }
0x86: {  	_ =	shalt  }
0x87: {  	_ =	shalt  }
.Lfunc_end0:
.L_simem_size_0:
called_computation_lowered:
.L_overlay_start_0:
0x88: {  	s2 =	sld [smem:$0x3FD9]  }
0x89: {  	s3 =	sld [smem:$0x3FFE];
	_ =	sdelay $0x1  }
0x8a: {  	s1 =	srdreg.scid  }
0x8b: {  	s0 =	sand.u32 $0x1, s1  }
0x8c: {  	s17 =	sshll.u32 s0, $0xA;
	s2 =	sadd.s32 s3, s2  }
0x8d: {  	s2 =	sadd.s32 s2, s17  }
0x8e: {  	[smem:$0x3FBB] =	sst s2  }
0x8f: {  	_ = 	snop  }
0x90: {  	s2 =	sld [smem:$0x3FD0];
	(tm) =	ssettm $0x1  }
0x91: {  	s18 =	sld [smem:$0x3FFB];
	_ =	sdelay $0x3  }
0x92: {  	_ =	strace s18  }
0x93: {  	s3 =	sld [smem:$0x3FFC];
	_ =	sdelay $0x3  }
0x94: {  	_ =	strace s3  }
0x95: {  	s3 =	sld [smem:$0x3FFD];
	_ =	sdelay $0x3  }
0x96: {  	_ =	strace s3  }
0x97: {  	_ =	strace $0x8FFFFFFF  }
0x98: {  	s19 =	sld [smem:$0x3FDB];
	_ =	sdelay $0x1  }
0x99: {  	s4 =	simm.s32 $_scs_section_size  }
0x9a: {  	s5 =	simm.s32 $_size__tile_overlayer_lowered;
	s6 =	simm.s32 $_tile_overlayer_lowered  }
0x9b: {  	s22 =	simm.s32 $0x1BFF;
	s21 =	sshll.u32 s6, $0x1;
	s3 =	sadd.s32 s4, s19  }
0x9c: {  	s7 =	simm.s32 $0x0;
	s20 =	sshll.u32 s5, $0x1;
	s5 =	sadd.s32 s21, s3  }
0x9d: {  	[timem:s7], [sflag:s22] =	dma.local [hbm:s5], s20  }
0x9e: {  	_ =	swait.ge [sflag:s22], s20  }
0x9f: {  	s4 =	ssub.s32 $0x0, s20;
	[sflag:s22] =	ssyncset.done $0x0  }
0xa0: {  	[sflag:s22] =	ssyncadd.s32 s4;
	_ =	sdelay $0x1  }
0xa1: {  	s23 =	simm.s32 $0x1B8B  }
0xa2: {  	_ =	swait.ge [sflag:s23], $0x1  }
0xa3: {  	[sflag:s23] =	ssyncset.done $0x0  }
0xa4: {  	s25 =	simm.s32 $0x1B8E;
	s24 =	sld [smem:$0x3FFE];
	[sflag:s23] =	ssyncadd.s32 $0xFFFFFFFF  }
0xa5: {  	s26 =	simm.s32 $execute0_lowered;
	[smem:$0x3FD2] =	sst s25  }
0xa6: {  	s5 =	sshll.u32 s26, $0x1;
	_ =	strace $0x80000046;
	[dreg:$0x1] =	wrdreg $0xFFFFFFFF  }
0xa7: {  	s28 =	simm.s32 $_size_execute0_lowered;
	s3 =	sadd.s32 s3, s5;
	[dreg:$0x0] =	wrdreg $0x0  }
0xa8: {  	s5 =	sshll.u32 s28, $0x1;
	[dreg:$0x2] =	wrdreg s3  }
0xa9: {  	[dreg:$0x3] =	wrdreg s5  }
0xaa: {  	[dreg:$0x4] =	wrdreg $0xC0  }
0xab: {  	_ =	task [dreg:s7], $0x5FFFF  }
0xac: {  	[dreg:$0x1] =	wrdreg $0xFFFFFFFF  }
0xad: {  	[dreg:$0x0] =	wrdreg $0x60  }
0xae: {  	[dreg:$0x2] =	wrdreg s24  }
0xaf: {  	[dreg:$0x3] =	wrdreg s2  }
0xb0: {  	[dreg:$0x4] =	wrdreg $0x9  }
0xb1: {  	_ =	task.clear_ibuf [dreg:s7], $0x5FFFF;
	_ =	strace $0x90000046  }
0xb2: {  	s29 =	simm.s32 $0x9;
	_ =	strace $0x80000048  }
0xb3: {  	_ =	swait.ge [sflag:s29], $0x1  }
0xb4: {  	[sflag:s29] =	ssyncadd.s32 $0xFFFFFFFF  }
0xb5: {  	_ =	strace $0x90000048  }
0xb6: {  	_ =	sfence  }
0xb7: {  	s30 =	sld [smem:$0x0];
	_ =	sdelay $0x2  }
0xb8: {  	s31 =	sshll.u32 s1, $0xD;
	s1 =	sshrl.u32 s1, $0x2  }
0xb9: {  	s3 =	sand.u32 $0x4000, s31;
	s1 =	sadd.s32 s1, s30  }
0xba: {  	s0 =	sor.u32 s3, s0;
	s1 =	sshll.u32 s1, $0x11  }
0xbb: {  	s0 =	sor.u32 s1, s0  }
0xbc: {  	s0 =	sadd.s32 $0x8F2B, s0  }
0xbd: {  	[sflag:s0] =	ssyncadd.remote.s32 $0x1  }
0xbe: {  	_ =	sfence.sel $0xFFFF  }
0xbf: {  	[dreg:$0x0] =	wrdreg $0xFFFFFFFF;
	(pc) =	sbr.abs _section_cstart, $3  }
0xc0: {  	[dreg:$0x1] =	wrdreg $0xFFFFFFFF  }
0xc1: {  	_ =	task.clear_ibuf [dreg:s7], $0x2FFFF;
	_ =	strace $0x9FFFFFFF  }
0xc2: {  	(tm) =	ssettm $0x7FFFFFFF  }
0xc3: {  	_ =	shalt  }
tec
execute0_lowered:
.L_overlay_start_1:
0x0: {  	(tag) =	ssettag $0x1  }
0x1: {  	s0 =	srdreg.scid  }
0x2: {  	s3 =	sand.u32 $0x1, s0  }
0x3: {  	s4 =	rddreg [dreg:$0x0];
	s0 =	stileid.u32;
	s1 =	sshll.u32 s3, $0x4  }
0x4: {  	s6 =	rddreg [dreg:$0x1];
	s10 =	simm.s32 $0x1;
	s2 =	sor.u32 s0, s1  }
0x5: {  	s11 =	simm.s32 $0x2780;
	s7 =	sshll.u32 s0, $0x7;
	s5 =	sshrl.u32 s2, $0x3  }
0x6: {  	s3 =	ssub.s32 $0x2, s3;
	s1 =	rddreg [dreg:$0x2];
	s8 =	smul.u32 $0x13C00, s5  }
0x7: {  	s9 =	sshrl.u32 s3, $0x1;
	s2 =	simm.s32 $0x0;
	s5 =	smul.u32 $0x14000, s5  }
0x8: {  	s7 =	sand.u32 $0x380, s7;
	s9 =	ssub.s32 s3, s9;
	[smem:$0x7FF] =	sst s2  }
0x9: {  	_ =	strace $0x80000047;
	s8 =	sor.u32 s7, s8;
	s31 =	sor.u32 s7, s5  }
0xa: {  	s8 =	sshrl.u32 s8, $0x3;
	s5 =	sshrl.u32 s31, $0x3;
	s7 =	sadd.s32 $0x50000, s31  }
0xb: {  	s8 =	sadd.s32 s8, s4;
	s4 =	sadd.s32 s6, s5;
	s7 =	sshrl.u32 s7, $0x3  }
0xc: {  	s3 =	sadd.s32 $0xCA00, s8;
	s5 =	sadd.s32 $0x2C00, s8;
	s6 =	sadd.s32 s6, s7  }
0xd: {  	v0 =	vimm.f32 $0.0e+00;
	v1 =	vimm.f32 $1.000000000e+00;
	s7 =	smax.u32 s9, $0x1;
	s8 =	simm.s32 $0x80;
	s9 =	simm.s32 $0x400  }
.LBB2_1:
0xe: {  	s12 =	simm.s32 $0x40;
	s13 =	simm.s32 $0x0  }
.LBB2_2:
0xf: {  	p0 =	sne.s32 s12, $0x9FC0;
	[tilespmem:s13+$0x2780] =	vst v0;
	s13 =	smov.u32 s12;
	s12 =	sadd.s32 $0x40, s12  }
.Ltmp0:
0x10: {  	(pc) =	sbr.rel @p0 .LBB2_2-.Ltmp0, $2  }
0x11: {  	_ =	sdelay $0x2  }
0x12: {  	s13 =	sshra.s32 s13, $0x2  }
0x13: {  	[tilespmem:s13+$0x2780] =	vst v0;
	s12 =	simm.s32 $0x0  }
0x14: {  	[tilespmem:s12], [sflag:$0x1] =	stream.strided.gather [hbm4b:s3+s8], $0x2780, s9, s8, $0x38;
	[tilespmem:$0x4F80] =	vst v63  }
0x15: {  	_ =	swait.ge [sflag:s10], $0x2780  }
0x16: {  	[sflag:s10] =	ssyncset.done $0x0  }
0x17: {  	s13 =	simm.s32 $0x0;
	s12 =	simm.s32 $0x40;
	[sflag:s10] =	ssyncadd.s32 $0xFFFFD880  }
.LBB2_4:
0x18: {  	p0 =	sne.s32 s12, $0x9C00;
	v2 =	vld [tilespmem:s13+$0x0];
	_ =	sdelay $0x3  }
.Ltmp1:
0x19: {  	(pc) =	sbr.rel @p0 .LBB2_4-.Ltmp1, $2  }
0x1a: {  	_ =	sdelay $0x2  }
0x1b: {  	s13 =	sshra.s32 s12, $0x2;
	s12 =	sadd.s32 $0x40, s12;
	[tilespmem:v2+s11+$0x0] =	vst.idx.add.f32.msk $0xffff, v1  }
0x1c: {  	v2 =	vld [tilespmem:s13+$0x0];
	_ =	sdelay $0x7  }
0x1d: {  	[tilespmem:v2+s11+$0x0] =	vst.idx.add.f32.msk $0xffff, v1  }
0x1e: {  	[hbm4b:s4+s8] =	stream.strided.scatter [tilespmem:s11], [sflag:$0x1], $0x2800, s9, s8, $0x38;
	[tilespmem:$0x4F80] =	vst v63  }
0x1f: {  	_ =	swait.ge [sflag:s10], $0x2800  }
0x20: {  	[sflag:s10] =	ssyncset.done $0x0  }
0x21: {  	s12 =	simm.s32 $0x40;
	s13 =	simm.s32 $0x0;
	[sflag:s10] =	ssyncadd.s32 $0xFFFFD800  }
.LBB2_6:
0x22: {  	p0 =	sne.s32 s12, $0x9FC0;
	[tilespmem:s13+$0x2780] =	vst v0;
	s13 =	smov.u32 s12;
	s12 =	sadd.s32 $0x40, s12  }
.Ltmp2:
0x23: {  	(pc) =	sbr.rel @p0 .LBB2_6-.Ltmp2, $2  }
0x24: {  	_ =	sdelay $0x2  }
0x25: {  	s13 =	sshra.s32 s13, $0x2  }
0x26: {  	[tilespmem:s13+$0x2780] =	vst v0;
	s12 =	simm.s32 $0x0  }
0x27: {  	[tilespmem:s12], [sflag:$0x1] =	stream.strided.gather [hbm4b:s5+s8], $0x2780, s9, s8, $0x38;
	[tilespmem:$0x4F80] =	vst v63  }
0x28: {  	_ =	swait.ge [sflag:s10], $0x2780  }
0x29: {  	[sflag:s10] =	ssyncset.done $0x0  }
0x2a: {  	s13 =	simm.s32 $0x0;
	s12 =	simm.s32 $0x40;
	[sflag:s10] =	ssyncadd.s32 $0xFFFFD880  }
.LBB2_8:
0x2b: {  	p0 =	sne.s32 s12, $0x9C00;
	v2 =	vld [tilespmem:s13+$0x0];
	_ =	sdelay $0x3  }
.Ltmp3:
0x2c: {  	(pc) =	sbr.rel @p0 .LBB2_8-.Ltmp3, $2  }
0x2d: {  	_ =	sdelay $0x2  }
0x2e: {  	s13 =	sshra.s32 s12, $0x2;
	s12 =	sadd.s32 $0x40, s12;
	[tilespmem:v2+s11+$0x0] =	vst.idx.add.f32.msk $0xffff, v1  }
0x2f: {  	v2 =	vld [tilespmem:s13+$0x0];
	_ =	sdelay $0x5  }
0x30: {  	s2 =	sadd.s32 $0x1, s2  }
0x31: {  	p0 =	sne.s32 s2, s7  }
.Ltmp4:
0x32: {  	[tilespmem:v2+s11+$0x0] =	vst.idx.add.f32.msk $0xffff, v1;
	(pc) =	sbr.rel @p0 .LBB2_1-.Ltmp4, $4  }
0x33: {  	[hbm4b:s6+s8] =	stream.strided.scatter [tilespmem:s11], [sflag:$0x1], $0x2800, s9, s8, $0x38;
	[tilespmem:$0x4F80] =	vst v63  }
0x34: {  	_ =	swait.ge [sflag:s10], $0x2800  }
0x35: {  	[sflag:s10] =	ssyncset.done $0x0  }
0x36: {  	[sflag:s10] =	ssyncadd.s32 $0xFFFFD800  }
0x37: {  	_ =	sfence.sel $0x180000  }
0x38: {  	[bflag:$0x0] =	sbarrier.arrive $0xFFFF  }
0x39: {  	p0 =	sne.s32 s0, $0x0;
	_ =	strace $0x90000047  }
0x3a: {  	s0 =	sadd.s32 @!p0 $0x100000, s1;
	[bflag:$0x2] =	sbarrier.arrive $0xFFFF  }
0x3b: {  	[sflag:s0] =	ssyncadd.tile.s32 @!p0 $0x1;
	_ =	shalt  }
.Lfunc_end2:
_tile_overlayer_lowered:
.L_overlay_start_2:
0x3c: {  	(tag) =	ssettag $0x2  }
0x3d: {  	s0 =	rddreg [dreg:$0x0];
	s2 =	stileid.u32  }
0x3e: {  	s1 =	rddreg [dreg:$0x1];
	p0 =	sne.s32 s2, $0x0  }
0x3f: {  	s3 =	rddreg [dreg:$0x2];
	[bflag:$0x3] =	sbarrier.arrive $0xFFFF;
	s2 =	simm.s32 @!p0 $0x1C01  }
0x40: {  	[timem:s3], [sflag:s2] =	dma.local @!p0 [hbm:s0], s1  }
0x41: {  	s0 =	simm.s32 @!p0 $0x1  }
0x42: {  	_ =	swait.ge @!p0 [sflag:s0], s1  }
0x43: {  	s1 =	ssub.s32 @!p0 $0x0, s1;
	[sflag:s0] =	ssyncset.done @!p0 $0x0  }
0x44: {  	[sflag:s0] =	ssyncadd.s32 @!p0 s1  }
0x45: {  	[bflag:$0x3] =	sbarrier.arrive $0xFFFF  }
0x46: {  	_ =	shalt  }

// kernel: kernel.9.cloned.1.call-start
scs
__scs_entry_jumppad:
0x0: {  	(pc) =	sbr.rel $0x88, $3  }
0x1: {  	(tag) =	ssettag $0x0;
	lr =	simm.s32 $0x1  }
0x2: {  	[smem:$0x3F94] =	sst lr;
	_ =	strace $0xD0000000  }
0x3: {  	_ = 	snop  }
0x4: {  	_ = 	snop  }
0x5: {  	_ = 	snop  }
0x6: {  	_ = 	snop  }
0x7: {  	_ = 	snop  }
__scs_overlays_trampoline_lowered:
0x8: {  	[smem:$0x3FA3] =	sst s0  }
0x9: {  	[smem:$0x3FA4] =	sst s1  }
0xa: {  	[smem:$0x3FA5] =	sst s2  }
0xb: {  	[smem:$0x3FA6] =	sst s3  }
0xc: {  	[smem:$0x3FA7] =	sst s4  }
0xd: {  	[smem:$0x3FA8] =	sst s5  }
0xe: {  	[smem:$0x3FA9] =	sst s6  }
0xf: {  	[smem:$0x3FAA] =	sst s7  }
0x10: {  	[smem:$0x3FAB] =	sst s8  }
0x11: {  	[smem:$0x3FAC] =	sst s9;
	s0 =	simm.s32 @!p0 $0x0  }
0x12: {  	s1 =	sld [smem:$0x3F92];
	s0 =	simm.s32 @p0 $0x1  }
0x13: {  	[smem:$0x3FAD] =	sst s0;
	s0 =	simm.s32 @!p1 $0x0  }
0x14: {  	s2 =	sld [smem:$0x3F91];
	s0 =	simm.s32 @p1 $0x1  }
0x15: {  	[smem:$0x3FAE] =	sst s0;
	s0 =	simm.s32 @!p2 $0x0  }
0x16: {  	s3 =	sld [smem:$0x3FDB];
	s0 =	simm.s32 @p2 $0x1  }
0x17: {  	s4 =	simm.s32 $0x1BF5;
	[smem:$0x3FB0] =	sst s0  }
0x18: {  	s0 =	sld [smem:$0x3F93];
	_ =	swait.ge [sflag:s4], $0x0  }
0x19: {  	s7 =	sld [smem:$0x3F94]  }
0x1a: {  	s8 =	sadd.s32 $0xFFFFE003, lr  }
0x1b: {  	s9 =	sadd.s32 $0xFFFFFEF7, lr;
	s5 =	simm.s32 $0xFFFFFFFF;
	p2 =	slt.u32 s8, $0xFFFFF086  }
0x1c: {  	p1 =	slt.u32 s9, $0xF7A;
	s5 =	simm.s32 @!p2 $0x0  }
0x1d: {  	s5 =	simm.s32 @p1 $0x1;
	p0 =	seq.s32 s7, s2  }
0x1e: {  	s7 =	smul.u32 @!p0 $0xF7A, s2;
	p2 =	seq.s32 @!p0 s5, $0x0  }
0x1f: {  	s9 =	smul.u32 $0xF7A, s1;
	s8 =	simm.s32 @!p0 $0x1BF5;
	p2 =	por !p2, p0  }
0x20: {  	[sflag:s8] =	ssyncset.s32 @!p0 $0xFFFFF086;
	s6 =	sadd.s32 @!p0 s3, s7;
	s7 =	simm.s32 @!p0 $0x108  }
0x21: {  	s3 =	sadd.s32 s3, s9;
	s6 =	sadd.s32 @!p0 $0x88, s6;
	s7 =	simm.s32 @p2 $0x1082  }
0x22: {  	[simem:s7], [sflag:s8] =	dma.local @!p0 [hbm:s6], $0xF7A  }
0x23: {  	s9 =	sor.u32 $0xD0000000, s2;
	s6 =	simm.s32 $0x108;
	_ =	swait.ge @!p0 [sflag:s8], $0x0  }
0x24: {  	s3 =	sadd.s32 $0x88, s3;
	s6 =	simm.s32 @!p1 $0x1082;
	[sflag:s4] =	ssyncset.s32 $0xFFFFF086  }
0x25: {  	[simem:s6], [sflag:s4] =	dma.local [hbm:s3], $0xF7A  }
0x26: {  	[smem:$0x3F94] =	sst s1;
	(tag) =	ssettag s2;
	_ =	strace s9  }
0x27: {  	s1 =	sld [smem:$0x3FA4]  }
0x28: {  	s2 =	sld [smem:$0x3FA5]  }
0x29: {  	s4 =	sld [smem:$0x3FA7]  }
0x2a: {  	p0 =	seq.s32 s5, $0x0;
	s5 =	sld [smem:$0x3FA8]  }
0x2b: {  	s6 =	sld [smem:$0x3FA9]  }
0x2c: {  	s7 =	sld [smem:$0x3FAA]  }
0x2d: {  	s3 =	simm.s32 $0x108;
	s8 =	sld [smem:$0x3FAB]  }
0x2e: {  	s3 =	simm.s32 @!p0 $0x1082;
	s9 =	sld [smem:$0x3FAC]  }
0x2f: {  	lr =	sadd.s32 s0, s3;
	s0 =	sld [smem:$0x3FA3]  }
0x30: {  	s3 =	sld [smem:$0x3FA6]  }
0x31: {  	[smem:$0x3FAF] =	sst s10  }
0x32: {  	s10 =	sld [smem:$0x3FAD];
	_ =	sdelay $0x3  }
0x33: {  	p0 =	seq.s32 s10, $0x1;
	s10 =	sld [smem:$0x3FAF];
	_ =	sdelay $0x3  }
0x34: {  	[smem:$0x3FAF] =	sst s10  }
0x35: {  	s10 =	sld [smem:$0x3FAE];
	_ =	sdelay $0x3  }
0x36: {  	p1 =	seq.s32 s10, $0x1;
	s10 =	sld [smem:$0x3FAF];
	_ =	sdelay $0x3  }
0x37: {  	[smem:$0x3FAF] =	sst s10  }
0x38: {  	s10 =	sld [smem:$0x3FB0]  }
0x39: {  	_ = 	snop;
	(pc) =	sbr.ind lr, $3  }
0x3a: {  	_ = 	snop  }
0x3b: {  	_ = 	snop  }
0x3c: {  	p2 =	seq.s32 s10, $0x1;
	s10 =	sld [smem:$0x3FAF]  }
0x3d: {  	_ =	shalt  }
0x3e: {  	_ =	shalt  }
0x3f: {  	_ =	shalt  }
0x40: {  	_ =	shalt  }
0x41: {  	_ =	shalt  }
0x42: {  	_ =	shalt  }
0x43: {  	_ =	shalt  }
0x44: {  	_ =	shalt  }
0x45: {  	_ =	shalt  }
0x46: {  	_ =	shalt  }
0x47: {  	_ =	shalt  }
0x48: {  	_ =	shalt  }
0x49: {  	_ =	shalt  }
0x4a: {  	_ =	shalt  }
0x4b: {  	_ =	shalt  }
0x4c: {  	_ =	shalt  }
0x4d: {  	_ =	shalt  }
0x4e: {  	_ =	shalt  }
0x4f: {  	_ =	shalt  }
0x50: {  	_ =	shalt  }
0x51: {  	_ =	shalt  }
0x52: {  	_ =	shalt  }
0x53: {  	_ =	shalt  }
0x54: {  	_ =	shalt  }
0x55: {  	_ =	shalt  }
0x56: {  	_ =	shalt  }
0x57: {  	_ =	shalt  }
0x58: {  	_ =	shalt  }
0x59: {  	_ =	shalt  }
0x5a: {  	_ =	shalt  }
0x5b: {  	_ =	shalt  }
0x5c: {  	_ =	shalt  }
0x5d: {  	_ =	shalt  }
0x5e: {  	_ =	shalt  }
0x5f: {  	_ =	shalt  }
0x60: {  	_ =	shalt  }
0x61: {  	_ =	shalt  }
0x62: {  	_ =	shalt  }
0x63: {  	_ =	shalt  }
0x64: {  	_ =	shalt  }
0x65: {  	_ =	shalt  }
0x66: {  	_ =	shalt  }
0x67: {  	_ =	shalt  }
0x68: {  	_ =	shalt  }
0x69: {  	_ =	shalt  }
0x6a: {  	_ =	shalt  }
0x6b: {  	_ =	shalt  }
0x6c: {  	_ =	shalt  }
0x6d: {  	_ =	shalt  }
0x6e: {  	_ =	shalt  }
0x6f: {  	_ =	shalt  }
0x70: {  	_ =	shalt  }
0x71: {  	_ =	shalt  }
0x72: {  	_ =	shalt  }
0x73: {  	_ =	shalt  }
0x74: {  	_ =	shalt  }
0x75: {  	_ =	shalt  }
0x76: {  	_ =	shalt  }
0x77: {  	_ =	shalt  }
0x78: {  	_ =	shalt  }
0x79: {  	_ =	shalt  }
0x7a: {  	_ =	shalt  }
0x7b: {  	_ =	shalt  }
0x7c: {  	_ =	shalt  }
0x7d: {  	_ =	shalt  }
0x7e: {  	_ =	shalt  }
0x7f: {  	_ =	shalt  }
0x80: {  	_ =	shalt  }
0x81: {  	_ =	shalt  }
0x82: {  	_ =	shalt  }
0x83: {  	_ =	shalt  }
0x84: {  	_ =	shalt  }
0x85: {  	_ =	shalt  }
0x86: {  	_ =	shalt  }
0x87: {  	_ =	shalt  }
.Lfunc_end0:
.L_simem_size_0:
called_computation.1_lowered:
.L_overlay_start_0:
0x88: {  	s2 =	sld [smem:$0x3FD9]  }
0x89: {  	s3 =	sld [smem:$0x3FFE];
	_ =	sdelay $0x1  }
0x8a: {  	s1 =	srdreg.scid  }
0x8b: {  	s0 =	sand.u32 $0x1, s1  }
0x8c: {  	s16 =	sshll.u32 s0, $0xA;
	s2 =	sadd.s32 s3, s2  }
0x8d: {  	s2 =	sadd.s32 s2, s16  }
0x8e: {  	[smem:$0x3FBB] =	sst s2  }
0x8f: {  	_ = 	snop  }
0x90: {  	(tm) =	ssettm $0x1  }
0x91: {  	s17 =	sld [smem:$0x3FFB];
	_ =	sdelay $0x3  }
0x92: {  	_ =	strace s17  }
0x93: {  	s2 =	sld [smem:$0x3FFC];
	_ =	sdelay $0x3  }
0x94: {  	_ =	strace s2  }
0x95: {  	s2 =	sld [smem:$0x3FFD];
	_ =	sdelay $0x3  }
0x96: {  	_ =	strace s2  }
0x97: {  	_ =	strace $0x8FFFFFFF  }
0x98: {  	s18 =	sld [smem:$0x3FDB];
	_ =	sdelay $0x1  }
0x99: {  	s19 =	simm.s32 $_scs_section_size  }
0x9a: {  	s4 =	simm.s32 $_size__tile_overlayer_lowered;
	s5 =	simm.s32 $_tile_overlayer_lowered  }
0x9b: {  	s22 =	simm.s32 $0x1BFF;
	s21 =	sshll.u32 s5, $0x1;
	s2 =	sadd.s32 s19, s18  }
0x9c: {  	s6 =	simm.s32 $0x0;
	s20 =	sshll.u32 s4, $0x1;
	s4 =	sadd.s32 s21, s2  }
0x9d: {  	[timem:s6], [sflag:s22] =	dma.local [hbm:s4], s20  }
0x9e: {  	_ =	swait.ge [sflag:s22], s20  }
0x9f: {  	s3 =	ssub.s32 $0x0, s20;
	[sflag:s22] =	ssyncset.done $0x0  }
0xa0: {  	[sflag:s22] =	ssyncadd.s32 s3;
	_ =	sdelay $0x1  }
0xa1: {  	s23 =	simm.s32 $0x1B8B  }
0xa2: {  	_ =	swait.ge [sflag:s23], $0x1  }
0xa3: {  	[sflag:s23] =	ssyncset.done $0x0  }
0xa4: {  	s25 =	simm.s32 $0x1B8E;
	s24 =	sld [smem:$0x3FFE];
	[sflag:s23] =	ssyncadd.s32 $0xFFFFFFFF  }
0xa5: {  	s26 =	simm.s32 $execute0_lowered;
	[smem:$0x3FD2] =	sst s25  }
0xa6: {  	s4 =	sshll.u32 s26, $0x1;
	_ =	strace $0x80000049;
	[dreg:$0x1] =	wrdreg $0xFFFFFFFF  }
0xa7: {  	s28 =	simm.s32 $_size_execute0_lowered;
	s2 =	sadd.s32 s2, s4;
	[dreg:$0x0] =	wrdreg $0x0  }
0xa8: {  	s4 =	sshll.u32 s28, $0x1;
	[dreg:$0x2] =	wrdreg s2  }
0xa9: {  	[dreg:$0x3] =	wrdreg s4  }
0xaa: {  	[dreg:$0x4] =	wrdreg $0xC0  }
0xab: {  	_ =	task [dreg:s6], $0x5FFFF  }
0xac: {  	[dreg:$0x1] =	wrdreg $0xFFFFFFFF  }
0xad: {  	[dreg:$0x0] =	wrdreg $0x60  }
0xae: {  	[dreg:$0x2] =	wrdreg s24  }
0xaf: {  	[dreg:$0x3] =	wrdreg $0x90000  }
0xb0: {  	[dreg:$0x4] =	wrdreg $0x9  }
0xb1: {  	_ =	task.clear_ibuf [dreg:s6], $0x5FFFF;
	_ =	strace $0x90000049  }
0xb2: {  	s29 =	simm.s32 $0x9;
	_ =	strace $0x8000004B  }
0xb3: {  	_ =	swait.ge [sflag:s29], $0x1  }
0xb4: {  	[sflag:s29] =	ssyncadd.s32 $0xFFFFFFFF  }
0xb5: {  	_ =	strace $0x9000004B  }
0xb6: {  	_ =	sfence  }
0xb7: {  	s30 =	sld [smem:$0x0];
	_ =	sdelay $0x2  }
0xb8: {  	s31 =	sshll.u32 s1, $0xD;
	s1 =	sshrl.u32 s1, $0x2  }
0xb9: {  	s3 =	sand.u32 $0x4000, s31;
	s1 =	sadd.s32 s1, s30  }
0xba: {  	s0 =	sor.u32 s3, s0;
	s1 =	sshll.u32 s1, $0x11  }
0xbb: {  	s0 =	sor.u32 s1, s0  }
0xbc: {  	s0 =	sadd.s32 $0x8F2B, s0  }
0xbd: {  	[sflag:s0] =	ssyncadd.remote.s32 $0x1  }
0xbe: {  	_ =	sfence.sel $0xFFFF  }
0xbf: {  	[dreg:$0x0] =	wrdreg $0xFFFFFFFF;
	(pc) =	sbr.abs _section_cstart, $3  }
0xc0: {  	[dreg:$0x1] =	wrdreg $0xFFFFFFFF  }
0xc1: {  	_ =	task.clear_ibuf [dreg:s6], $0x2FFFF;
	_ =	strace $0x9FFFFFFF  }
0xc2: {  	(tm) =	ssettm $0x7FFFFFFF  }
0xc3: {  	_ =	shalt  }
tec
execute0_lowered:
.L_overlay_start_1:
0x0: {  	(tag) =	ssettag $0x1  }
0x1: {  	s7 =	rddreg [dreg:$0x0]  }
0x2: {  	s1 =	rddreg [dreg:$0x1];
	s2 =	srdreg.scid;
	s3 =	simm.s32 $0x0  }
0x3: {  	s15 =	simm.s32 $0x1000;
	s16 =	simm.s32 $0x3;
	s17 =	simm.s32 $0x80  }
0x4: {  	s18 =	simm.s32 $0x2;
	s19 =	simm.s32 $0xF80;
	s8 =	sand.u32 $0x1, s2  }
0x5: {  	s20 =	simm.s32 $0x5000;
	s2 =	stileid.u32;
	s5 =	smul.u32 $0x140000, s8  }
0x6: {  	[smem:$0x7FF] =	sst s3;
	s4 =	sadd.s32 $0x2A800, s7;
	s6 =	smul.u32 $0x14000, s2  }
0x7: {  	_ =	strace $0x8000004A;
	s29 =	ssub.s32 $0x2, s8;
	s8 =	sshll.u32 s8, $0x4  }
0x8: {  	s10 =	smul.u32 $0x50000, s2;
	s31 =	sshrl.u32 s29, $0x1;
	s12 =	sor.u32 s2, s8  }
0x9: {  	s9 =	sadd.s32 s6, s5;
	s5 =	sadd.s32 $0x20800, s7;
	s6 =	sadd.s32 $0x16800, s7  }
0xa: {  	s30 =	sshrl.u32 s10, $0x2;
	s14 =	ssub.s32 s29, s31;
	s9 =	sshrl.u32 s9, $0x3  }
0xb: {  	s12 =	smul.u32 $0x2800, s12;
	s13 =	sadd.s32 s9, s7;
	s7 =	sadd.s32 s30, s1  }
0xc: {  	s14 =	smax.u32 s14, $0x1;
	s8 =	sadd.s32 $0x4000, s7;
	s9 =	sadd.s32 $0x8000, s7  }
0xd: {  	v0 =	vimm.f32 $0.0e+00;
	s10 =	sadd.s32 $0xC000, s7;
	s11 =	sadd.s32 $0x10000, s7;
	s13 =	sadd.s32 $0x52800, s13  }
.LBB2_1:
0xe: {  	s21 =	simm.s32 $0x0;
	s22 =	simm.s32 $0x200  }
.LBB2_2:
0xf: {  	p0 =	sne.s32 s22, $0xFE00;
	[tilespmem:s21+$0x1070] =	vst v0  }
0x10: {  	[tilespmem:s21+$0x1000] =	vst v0  }
0x11: {  	[tilespmem:s21+$0x1010] =	vst v0  }
.Ltmp0:
0x12: {  	[tilespmem:s21+$0x1020] =	vst v0;
	(pc) =	sbr.rel @p0 .LBB2_2-.Ltmp0, $4  }
0x13: {  	[tilespmem:s21+$0x1030] =	vst v0  }
0x14: {  	[tilespmem:s21+$0x1040] =	vst v0  }
0x15: {  	[tilespmem:s21+$0x1050] =	vst v0  }
0x16: {  	[tilespmem:s21+$0x1060] =	vst v0;
	s21 =	sshra.s32 s22, $0x2;
	s22 =	sadd.s32 $0x200, s22  }
0x17: {  	[tilespmem:s21+$0x1070] =	vst v0  }
0x18: {  	[tilespmem:s21+$0x1000] =	vst v0  }
0x19: {  	[tilespmem:s21+$0x1010] =	vst v0  }
0x1a: {  	[tilespmem:s21+$0x1020] =	vst v0  }
0x1b: {  	[tilespmem:s21+$0x1030] =	vst v0  }
0x1c: {  	[tilespmem:s21+$0x1040] =	vst v0  }
0x1d: {  	[tilespmem:s21+$0x1050] =	vst v0  }
0x1e: {  	[tilespmem:s21+$0x1060] =	vst v0  }
0x1f: {  	[spmem:s7] =	stream.linear.scatter [tilespmem:s15], [sflag:$0x3], $0x4000, $0x38;
	[tilespmem:$0x1D000] =	vst v63  }
0x20: {  	_ =	swait.ge [sflag:s16], $0x4000  }
0x21: {  	[sflag:s16] =	ssyncset.done $0x0  }
0x22: {  	[sflag:s16] =	ssyncadd.s32 $0xFFFFC000  }
0x23: {  	[spmem:s8] =	stream.linear.scatter [tilespmem:s15], [sflag:$0x3], $0x4000, $0x38;
	[tilespmem:$0x1D000] =	vst v63  }
0x24: {  	_ =	swait.ge [sflag:s16], $0x4000  }
0x25: {  	[sflag:s16] =	ssyncset.done $0x0  }
0x26: {  	[sflag:s16] =	ssyncadd.s32 $0xFFFFC000  }
0x27: {  	[spmem:s9] =	stream.linear.scatter [tilespmem:s15], [sflag:$0x3], $0x4000, $0x38;
	[tilespmem:$0x1D000] =	vst v63  }
0x28: {  	_ =	swait.ge [sflag:s16], $0x4000  }
0x29: {  	[sflag:s16] =	ssyncset.done $0x0  }
0x2a: {  	[sflag:s16] =	ssyncadd.s32 $0xFFFFC000  }
0x2b: {  	[spmem:s10] =	stream.linear.scatter [tilespmem:s15], [sflag:$0x3], $0x4000, $0x38;
	[tilespmem:$0x1D000] =	vst v63  }
0x2c: {  	_ =	swait.ge [sflag:s16], $0x4000  }
0x2d: {  	[sflag:s16] =	ssyncset.done $0x0  }
0x2e: {  	[sflag:s16] =	ssyncadd.s32 $0xFFFFC000  }
0x2f: {  	[spmem:s11] =	stream.linear.scatter [tilespmem:s15], [sflag:$0x3], $0x4000, $0x38;
	[tilespmem:$0x1D000] =	vst v63  }
0x30: {  	_ =	swait.ge [sflag:s16], $0x4000  }
0x31: {  	[sflag:s16] =	ssyncset.done $0x0  }
0x32: {  	[sflag:s16] =	ssyncadd.s32 $0xFFFFC000  }
0x33: {  	s21 =	simm.s32 $0x0;
	s22 =	simm.s32 $0x0;
	[bflag:$0x0] =	sbarrier.arrive $0xFFFF  }
.LBB2_4:
0x34: {  	s23 =	sshll.u32 s22, $0xB  }
0x35: {  	s23 =	sadd.s32 s12, s23  }
0x36: {  	s23 =	sshrl.u32 s23, $0x3  }
0x37: {  	s24 =	sadd.s32 s5, s23  }
0x38: {  	[tilespmem:s21], [sflag:$0x3] =	stream.linear.gather [hbm4b:s24+s21], $0x800, $0x38;
	[tilespmem:$0x1D000] =	vst v63  }
0x39: {  	_ =	swait.ge [sflag:s16], $0x800  }
0x3a: {  	[sflag:s16] =	ssyncset.done $0x0  }
0x3b: {  	s25 =	simm.s32 $0x800;
	s23 =	sadd.s32 s6, s23;
	[sflag:s16] =	ssyncadd.s32 $0xFFFFF800  }
0x3c: {  	[tilespmem:s25], [sflag:$0x3] =	stream.linear.gather [hbm4b:s23+s21], $0x800, $0x38;
	[tilespmem:$0x1D000] =	vst v63  }
0x3d: {  	s0 =	sand.u32 $0x1, s21;
	_ =	swait.ge [sflag:s16], $0x800  }
0x3e: {  	s26 =	sxor.u32 $0x1, s0;
	[sflag:s16] =	ssyncset.done $0x0  }
0x3f: {  	s31 =	simm.s32 $0x80;
	s28 =	sshll.u32 s26, $0xE;
	[sflag:s16] =	ssyncadd.s32 $0xFFFFF800  }
0x40: {  	[tilespmem:s15], [sflag:$0x1] =	stream.indirect.gather [hbm4b:s4+s31], $0x80, s21, s31, $0xb8;
	[tilespmem:$0x1D000] =	vst v63  }
0x41: {  	s29 =	sadd.s32 $0x1, s0;
	s26 =	sadd.s32 $0x1, s26;
	s28 =	sor.u32 $0x1000, s28  }
0x42: {  	[tilespmem:s28], [sflag:s26] =	stream.indirect.gather [hbm4b:s4+s17], $0x80, s31, s17, $0xb8;
	[tilespmem:$0x1D000] =	vst v63  }
0x43: {  	s30 =	simm.s32 $0x1;
	_ =	swait.ge [sflag:s29], $0x4000  }
0x44: {  	s24 =	sshll.u32 s0, $0xE;
	s23 =	simm.s32 $0x880;
	[sflag:s29] =	ssyncset.done $0x0  }
0x45: {  	s28 =	simm.s32 $0x2;
	s31 =	sor.u32 $0x1000, s24;
	[sflag:s29] =	ssyncadd.s32 $0xFFFFC000  }
0x46: {  	[spmem:s1] =	stream.indirect.scatter.add.f32 [tilespmem:s31], [sflag:$0x3], $0x80, s25, s17, $0xb8;
	[tilespmem:$0x1D000] =	vst v63  }
0x47: {  	s24 =	simm.s32 $0x100;
	s26 =	sand.u32 $0x1, s30;
	_ =	swait.ge [sflag:s16], $0x4000  }
0x48: {  	s29 =	sxor.u32 $0x1, s26;
	s25 =	sshll.u32 s26, $0xE;
	[sflag:s16] =	ssyncset.done $0x0  }
.LBB2_5:
0x49: {  	s30 =	sshll.u32 s29, $0xE  }
0x4a: {  	[sflag:s16] =	ssyncadd.s32 $0xFFFFC000;
	s31 =	smov.u32 s28;
	s0 =	sadd.s32 $0x1, s28  }
0x4b: {  	s29 =	sadd.s32 $0x1, s29;
	s26 =	sadd.s32 $0x1, s26;
	s30 =	sor.u32 $0x1000, s30  }
0x4c: {  	[tilespmem:s30], [sflag:s29] =	stream.indirect.gather [hbm4b:s4+s17], $0x80, s24, s17, $0xb8;
	[tilespmem:$0x1D000] =	vst v63  }
0x4d: {  	p0 =	sne.s32 s28, $0xE;
	_ =	swait.ge [sflag:s26], $0x4000  }
.Ltmp1:
0x4e: {  	s25 =	sor.u32 $0x1000, s25;
	[sflag:s26] =	ssyncset.done $0x0;
	(pc) =	sbr.rel @p0 .LBB2_5-.Ltmp1, $4  }
0x4f: {  	s28 =	smov.u32 s0;
	s24 =	sadd.s32 $0x80, s24;
	[sflag:s26] =	ssyncadd.s32 $0xFFFFC000  }
0x50: {  	[spmem:s1] =	stream.indirect.scatter.add.f32 [tilespmem:s25], [sflag:$0x3], $0x80, s23, s17, $0xb8;
	[tilespmem:$0x1D000] =	vst v63  }
0x51: {  	s26 =	sand.u32 $0x1, s31;
	s23 =	sadd.s32 $0x80, s23;
	_ =	swait.ge [sflag:s16], $0x4000  }
0x52: {  	s29 =	sxor.u32 $0x1, s26;
	s25 =	sshll.u32 s26, $0xE;
	[sflag:s16] =	ssyncset.done $0x0  }
0x53: {  	s0 =	sshll.u32 s29, $0xE;
	[sflag:s16] =	ssyncadd.s32 $0xFFFFC000  }
0x54: {  	s28 =	sadd.s32 $0x1, s29;
	s26 =	sadd.s32 $0x1, s26;
	s0 =	sor.u32 $0x1000, s0  }
0x55: {  	[tilespmem:s0], [sflag:s28] =	stream.indirect.gather [hbm4b:s4+s17], $0x80, s24, s17, $0xb8;
	[tilespmem:$0x1D000] =	vst v63  }
0x56: {  	_ =	swait.ge [sflag:s26], $0x4000  }
0x57: {  	[sflag:s26] =	ssyncset.done $0x0  }
0x58: {  	s31 =	sor.u32 $0x1000, s25;
	[sflag:s26] =	ssyncadd.s32 $0xFFFFC000  }
0x59: {  	[spmem:s1] =	stream.indirect.scatter.add.f32 [tilespmem:s31], [sflag:$0x3], $0x80, s23, s17, $0xb8;
	[tilespmem:$0x1D000] =	vst v63  }
0x5a: {  	_ =	swait.ge [sflag:s16], $0x4000  }
0x5b: {  	[sflag:s16] =	ssyncset.done $0x0  }
0x5c: {  	[sflag:s16] =	ssyncadd.s32 $0xFFFFC000  }
0x5d: {  	s22 =	sadd.s32 $0x1, s22;
	_ =	swait.ge [sflag:s18], $0x4000  }
0x5e: {  	p0 =	sne.s32 s22, $0x5;
	[sflag:s18] =	ssyncset.done $0x0  }
.Ltmp2:
0x5f: {  	[sflag:s18] =	ssyncadd.s32 $0xFFFFC000;
	(pc) =	sbr.rel @p0 .LBB2_4-.Ltmp2, $4  }
0x60: {  	[spmem:s1] =	stream.indirect.scatter.add.f32 [tilespmem:s20], [sflag:$0x3], $0x80, s19, s17, $0xb8;
	[tilespmem:$0x1D000] =	vst v63  }
0x61: {  	_ =	swait.ge [sflag:s16], $0x4000  }
0x62: {  	[sflag:s16] =	ssyncset.done $0x0  }
0x63: {  	[sflag:s16] =	ssyncadd.s32 $0xFFFFC000  }
0x64: {  	s3 =	sadd.s32 $0x1, s3  }
0x65: {  	s0 =	sshll.u32 s2, $0x6;
	[bflag:$0x0] =	sbarrier.arrive $0xFFFF;
	p0 =	sne.s32 s3, s14  }
.Ltmp3:
0x66: {  	s21 =	sshrl.u32 s7, $0x3;
	s0 =	sor.u32 $0x1C03, s0;
	(pc) =	sbr.rel @p0 .LBB2_1-.Ltmp3, $4  }
0x67: {  	[hbm:s13], [sflag:s0] =	dma.local [spmem:s21], $0x2800  }
0x68: {  	_ =	swait.ge [sflag:s16], $0x2800  }
0x69: {  	[sflag:s16] =	ssyncset.done $0x0  }
0x6a: {  	[sflag:s16] =	ssyncadd.s32 $0xFFFFD800  }
0x6b: {  	_ =	sfence.sel $0x180000  }
0x6c: {  	[bflag:$0x0] =	sbarrier.arrive $0xFFFF  }
0x6d: {  	_ =	strace $0x9000004A  }
0x6e: {  	[bflag:$0x2] =	sbarrier.arrive $0xFFFF  }
0x6f: {  	p0 =	sne.s32 s2, $0x0;
	s0 =	rddreg [dreg:$0x2]  }
0x70: {  	s0 =	sadd.s32 @!p0 $0x100000, s0  }
0x71: {  	[sflag:s0] =	ssyncadd.tile.s32 @!p0 $0x1;
	_ =	shalt  }
.Lfunc_end2:
_tile_overlayer_lowered:
.L_overlay_start_2:
0x72: {  	(tag) =	ssettag $0x2  }
0x73: {  	s0 =	rddreg [dreg:$0x0];
	s2 =	stileid.u32  }
0x74: {  	s1 =	rddreg [dreg:$0x1];
	p0 =	sne.s32 s2, $0x0  }
0x75: {  	s3 =	rddreg [dreg:$0x2];
	[bflag:$0x3] =	sbarrier.arrive $0xFFFF;
	s2 =	simm.s32 @!p0 $0x1C03  }
0x76: {  	[timem:s3], [sflag:s2] =	dma.local @!p0 [hbm:s0], s1  }
0x77: {  	s0 =	simm.s32 @!p0 $0x3  }
0x78: {  	_ =	swait.ge @!p0 [sflag:s0], s1  }
0x79: {  	s1 =	ssub.s32 @!p0 $0x0, s1;
	[sflag:s0] =	ssyncset.done @!p0 $0x0  }
0x7a: {  	[sflag:s0] =	ssyncadd.s32 @!p0 s1  }
0x7b: {  	[bflag:$0x3] =	sbarrier.arrive $0xFFFF  }
0x7c: {  	_ =	shalt  }

</sc_bundles>
